<compile_context>
chip_gen: v7x
topology: tpu7x:2x2x1
jax: 0.10.2.dev20260603
libtpu: 0.0.44.dev20260713+nightly
codegen_flags: <defaults>
</compile_context>

<pallas_src>
import jax
import jax.numpy as jnp
from jax import lax
from jax.experimental import pallas as pl
from jax.experimental.pallas import tpu as pltpu
from jax.experimental.pallas import tpu_sc as plsc

BS = 16
N = 64
M = 512
H = 256
L = 16
MC = M // L
INF = 3.0e38
BIGI = 1 << 30


def _dist_kernel(x_ref, e_ref, o_ref):
    x = x_ref[...]
    e = e_ref[...]
    xs = jnp.sum(x * x, axis=1, keepdims=True)
    es = jnp.sum(e * e, axis=1)
    g = lax.dot_general(x, e, (((1,), (1,)), ((), ())),
                        preferred_element_type=jnp.float32)
    o_ref[...] = jnp.sqrt(xs + es[None, :] - 2.0 * g)


def _splat_i(s):
    return jnp.full((L,), s, dtype=jnp.int32)


def _sc_kernel(d_hbm, x_hbm, e_hbm, idx_hbm, quant_hbm, loss_hbm,
               cost_v, v_v, minv_v, way_v, used_v, ans_v, rows_v, flat_v,
               loss16_v, p_s, u_s, tr_s, sem):
    c = lax.axis_index("c")
    s = lax.axis_index("s")
    wid = s * 2 + c

    @pl.when(wid < BS)
    def _():
        b = wid
        pltpu.sync_copy(d_hbm.at[b], cost_v)
        pltpu.sync_copy(x_hbm.at[b], flat_v)

        def init_p(j, _):
            p_s[j] = jnp.int32(-1)
            return 0
        lax.fori_loop(0, M, init_p, 0)

        def init_u(i, _):
            u_s[i] = jnp.float32(0.0)
            return 0
        lax.fori_loop(0, N, init_u, 0)

        def init_v(ci, _):
            v_v[pl.ds(ci * L, L)] = jnp.zeros((L,), jnp.float32)
            return 0
        lax.fori_loop(0, MC, init_v, 0)

        lane0 = lax.iota(jnp.int32, L) == 0
        iota = lax.iota(jnp.int32, L)

        def row_body(i, _):
            def reset(ci, _):
                sl = pl.ds(ci * L, L)
                minv_v[sl] = jnp.full((L,), INF, jnp.float32)
                used_v[sl] = jnp.zeros((L,), jnp.int32)
                way_v[sl] = jnp.full((L,), -1, jnp.int32)
                return 0
            lax.fori_loop(0, MC, reset, 0)

            def step(t, carry):
                def active(cy):
                    j0, i0, tcount, done, jfree = cy
                    plsc.store_scatter(
                        used_v, [_splat_i(jnp.maximum(j0, 0))],
                        jnp.ones((L,), jnp.int32),
                        mask=jnp.logical_and(lane0,
                                             jnp.full((L,), j0 >= 0)))
                    tr_s[tcount] = i0
                    tcount = tcount + 1
                    ui0 = u_s[i0]
                    j0v = _splat_i(j0)

                    def pass1(ci, carry1):
                        best, bidx = carry1
                        sl = pl.ds(ci * L, L)
                        costx = cost_v[pl.ds(i0 * M + ci * L, L)]
                        cur = costx - ui0 - v_v[sl]
                        free = used_v[sl] == 0
                        mv = minv_v[sl]
                        upd = jnp.logical_and(free, cur < mv)
                        mv2 = jnp.where(upd, cur, mv)
                        minv_v[sl] = mv2
                        way_v[sl] = jnp.where(upd, j0v, way_v[sl])
                        masked = jnp.where(free, mv2, INF)
                        idxv = iota + ci * L
                        m = masked < best
                        return (jnp.where(m, masked, best),
                                jnp.where(m, idxv, bidx))

                    best, bidx = lax.fori_loop(
                        0, MC, pass1,
                        (jnp.full((L,), INF, jnp.float32),
                         jnp.zeros((L,), jnp.int32)))
                    minval = jnp.min(best)
                    cand = jnp.where(best == minval, bidx, BIGI)
                    j1 = jnp.min(cand)
                    delta = minval

                    def tree_upd(tt, _):
                        r = tr_s[tt]
                        u_s[r] = u_s[r] + delta
                        return 0
                    lax.fori_loop(0, tcount, tree_upd, 0)

                    def pass2(ci, _):
                        sl = pl.ds(ci * L, L)
                        free = used_v[sl] == 0
                        vv = v_v[sl]
                        v_v[sl] = jnp.where(free, vv, vv - delta)
                        mv = minv_v[sl]
                        minv_v[sl] = jnp.where(free, mv - delta, mv)
                        return 0
                    lax.fori_loop(0, MC, pass2, 0)

                    pj1 = p_s[j1]
                    done2 = pj1 < 0
                    i0n = jnp.where(done2, i0, pj1)
                    return (j1, i0n, tcount, done2, j1)

                def idle(cy):
                    return cy

                j0, i0, tcount, done, jfree = carry
                return lax.cond(done, idle, active, carry)

            _, _, _, _, jfree = lax.fori_loop(
                0, i + 2, step,
                (jnp.int32(-1), i, jnp.int32(0), jnp.bool_(False),
                 jnp.int32(-1)))

            def a_step(t, jcur):
                def active(j):
                    wv = plsc.load_gather(way_v, [_splat_i(j)])
                    jprev = jnp.min(wv)
                    row = jnp.where(jprev < 0, i,
                                    p_s[jnp.maximum(jprev, 0)])
                    p_s[j] = row
                    return jprev
                return lax.cond(jcur < 0, lambda j: j, active, jcur)

            lax.fori_loop(0, i + 2, a_step, jfree)
            return 0

        lax.fori_loop(0, N, row_body, 0)

        def build(j, _):
            r = p_s[j]
            plsc.store_scatter(
                ans_v, [_splat_i(jnp.maximum(r, 0))], _splat_i(j),
                mask=jnp.logical_and(lane0, jnp.full((L,), r >= 0)))
            return 0
        lax.fori_loop(0, M, build, 0)

        pltpu.sync_copy(ans_v, idx_hbm.at[b])

        pltpu.async_copy(e_hbm.at[ans_v], rows_v, sem).wait()
        pltpu.sync_copy(rows_v, quant_hbm.at[b])

        def loss_row(r, acc):
            def loss_chunk(cc, acc2):
                sl = iota + cc * L
                q = plsc.load_gather(rows_v, [_splat_i(r), sl])
                dlt = flat_v[pl.ds(r * H + cc * L, L)] - q
                return acc2 + dlt * dlt
            return lax.fori_loop(0, H // L, loss_chunk, acc)

        acc = lax.fori_loop(0, N, loss_row, jnp.zeros((L,), jnp.float32))
        loss16_v[...] = acc
        pltpu.sync_copy(loss16_v, loss_hbm.at[b])


@jax.jit
def kernel(mlc_emb, embedding_weight):
    commitment_cost = 0.25
    bs, seq_len, hidden = mlc_emb.shape
    flat = mlc_emb.reshape(bs * seq_len, hidden)

    dist = pl.pallas_call(
        _dist_kernel,
        out_shape=jax.ShapeDtypeStruct((bs * seq_len, M), jnp.float32),
    )(flat, embedding_weight)

    mesh = plsc.VectorSubcoreMesh(core_axis_name="c", subcore_axis_name="s")
    sck = pl.kernel(
        _sc_kernel,
        out_type=(
            jax.ShapeDtypeStruct((BS, N), jnp.int32),
            jax.ShapeDtypeStruct((BS, N, H), jnp.float32),
            jax.ShapeDtypeStruct((BS, L), jnp.float32),
        ),
        mesh=mesh,
        compiler_params=pltpu.CompilerParams(needs_layout_passes=False),
        scratch_types=[
            pltpu.VMEM((N * M,), jnp.float32),
            pltpu.VMEM((M,), jnp.float32),
            pltpu.VMEM((M,), jnp.float32),
            pltpu.VMEM((M,), jnp.int32),
            pltpu.VMEM((M,), jnp.int32),
            pltpu.VMEM((N,), jnp.int32),
            pltpu.VMEM((N, H), jnp.float32),
            pltpu.VMEM((N * H,), jnp.float32),
            pltpu.VMEM((L,), jnp.float32),
            pltpu.SMEM((M,), jnp.int32),
            pltpu.SMEM((N,), jnp.float32),
            pltpu.SMEM((N,), jnp.int32),
            pltpu.SemaphoreType.DMA,
        ],
    )
    idx2, quant2, loss16 = sck(
        dist.reshape(bs, seq_len * M),
        mlc_emb.reshape(bs, seq_len * hidden),
        embedding_weight,
    )

    indices = idx2.reshape(bs * seq_len)
    quantized = quant2.reshape(bs, seq_len, hidden)
    mse = jnp.sum(loss16) / jnp.float32(bs * seq_len * hidden)
    loss = (1.0 + commitment_cost) * mse
    return quantized, loss, indices

# --- scband reference (transcript-rebuilt; emitter-appended) ---
"""Pipeline reference for scband-code-book-52175262712108 (READ-ONLY COPY).

The authoritative reference and input builder live on the scoring server;
editing this copy changes nothing except your own understanding.
"""

import jax, jax.numpy as jnp
import numpy as np


def _lsa(cost):
    # Rectangular Hungarian (Jonker-Volgenant style shortest augmenting path),
    # equivalent to scipy.optimize.linear_sum_assignment; returns col index per row.
    cost = np.asarray(cost, dtype=np.float64)
    n, m = cost.shape
    assert n <= m
    INF = 1e18
    u = np.zeros(n + 1)
    v = np.zeros(m + 1)
    p = np.zeros(m + 1, dtype=np.int64)
    way = np.zeros(m + 1, dtype=np.int64)
    for i in range(1, n + 1):
        p[0] = i
        j0 = 0
        minv = np.full(m + 1, INF)
        used = np.zeros(m + 1, dtype=bool)
        while True:
            used[j0] = True
            i0 = p[j0]
            cur = cost[i0 - 1, :] - u[i0] - v[1:]
            free = ~used[1:]
            upd = free & (cur < minv[1:])
            minv1 = minv[1:]
            minv1[upd] = cur[upd]
            way1 = way[1:]
            way1[upd] = j0
            masked = np.where(free, minv[1:], INF)
            j1 = int(np.argmin(masked)) + 1
            delta = masked[j1 - 1]
            u[p[used]] += delta
            v[used] -= delta
            minv[~used] -= delta
            j0 = j1
            if p[j0] == 0:
                break
        while j0 != 0:
            j1 = way[j0]
            p[j0] = p[j1]
            j0 = j1
    ans = np.zeros(n, dtype=np.int64)
    js = np.nonzero(p[1:])[0]
    ans[p[1:][js] - 1] = js
    return ans


def _batched_lsa(d_np):
    d_np = np.asarray(d_np)
    idx = np.concatenate([_lsa(d_np[b]) for b in range(d_np.shape[0])])
    return idx.astype(np.int32)


def setup_inputs(seed: int = 0) -> dict:
    key = jax.random.key(seed)
    k1, k2 = jax.random.split(key)
    mlc_emb = jax.random.normal(k1, (16, 64, 256), dtype=jnp.float32)
    embedding_weight = jax.random.normal(k2, (512, 256), dtype=jnp.float32)
    return {"mlc_emb": mlc_emb, "embedding_weight": embedding_weight}


def reference(mlc_emb, embedding_weight):
    commitment_cost = 0.25
    bs, seq_len, hidden_size = mlc_emb.shape
    flat = mlc_emb.reshape(-1, hidden_size)
    distances = jnp.sqrt(
        jnp.sum(flat ** 2, axis=1, keepdims=True)
        + jnp.sum(embedding_weight ** 2, axis=1)
        - 2.0 * (flat @ embedding_weight.T)
    )
    d3 = distances.reshape(bs, seq_len, -1)
    indices = jax.pure_callback(
        _batched_lsa,
        jax.ShapeDtypeStruct((bs * seq_len,), jnp.int32),
        d3,
    )
    quantized = jnp.take(embedding_weight, indices, axis=0)
    q_latent_loss = jnp.mean((jax.lax.stop_gradient(flat) - quantized) ** 2)
    e_latent_loss = jnp.mean((flat - jax.lax.stop_gradient(quantized)) ** 2)
    loss = q_latent_loss + commitment_cost * e_latent_loss
    quantized_st = flat + jax.lax.stop_gradient(quantized - flat)
    return quantized_st.reshape(bs, seq_len, hidden_size), loss, indices

if __name__ == "__main__":
    import jax
    _d = setup_inputs()
    print(jax.jit(kernel)(*tuple(_d.values())))

</pallas_src>

<mosaic_0001>
#map = affine_map<(d0, d1) -> (0, 0)>
#map1 = affine_map<(d0, d1) -> (0, 0, 0)>
module attributes {stable_mosaic.version = 14 : i64} {
  func.func @_sc_kernel(%arg0: i32, %arg1: i32, %arg2: memref<16x32768xf32, #tpu.memory_space<hbm>>, %arg3: memref<16x16384xf32, #tpu.memory_space<hbm>>, %arg4: memref<512x256xf32, #tpu.memory_space<hbm>>, %arg5: memref<16x64xi32, #tpu.memory_space<hbm>>, %arg6: memref<16x64x256xf32, #tpu.memory_space<hbm>>, %arg7: memref<16x16xf32, #tpu.memory_space<hbm>>, %arg8: memref<32768xf32, #tpu.memory_space<vmem>>, %arg9: memref<512xf32, #tpu.memory_space<vmem>>, %arg10: memref<512xf32, #tpu.memory_space<vmem>>, %arg11: memref<512xi32, #tpu.memory_space<vmem>>, %arg12: memref<512xi32, #tpu.memory_space<vmem>>, %arg13: memref<64xi32, #tpu.memory_space<vmem>>, %arg14: memref<64x256xf32, #tpu.memory_space<vmem>>, %arg15: memref<16384xf32, #tpu.memory_space<vmem>>, %arg16: memref<16xf32, #tpu.memory_space<vmem>>, %arg17: memref<512xi32, #tpu.memory_space<smem>>, %arg18: memref<64xf32, #tpu.memory_space<smem>>, %arg19: memref<64xi32, #tpu.memory_space<smem>>, %arg20: memref<!tpu.dma_semaphore, #tpu.memory_space<semaphore_mem>>) attributes {dimension_semantics = [#tpu.dimension_semantics<core_parallel>, #tpu.dimension_semantics<subcore_parallel>], iteration_bounds = array<i64: 2, 16>, scalar_prefetch = 0 : i64, scratch_operands = 13 : i64, tpu.core_type = #tpu.core_type<sc_vector_subcore>, window_params = [{transform_indices = #map}, {transform_indices = #map}, {transform_indices = #map}, {transform_indices = #map}, {transform_indices = #map1}, {transform_indices = #map}]} {
    %mul3A = arith.constant 2 : i32
    %mul3A_0 = arith.muli %arg1, %mul3A : i32
    %add3A = arith.addi %mul3A_0, %arg0 : i32
    %lt3A = arith.constant 16 : i32
    %lt3A_1 = arith.cmpi slt, %add3A, %lt3A : i32
    %convert_element_type3A = arith.extui %lt3A_1 : i1 to i32
    %cond3A = arith.constant 0 : i32
    %cond3A_2 = arith.cmpi ne, %convert_element_type3A, %cond3A : i32
    scf.if %cond3A_2 {
      "tpu.region"() ({
        %run_scoped3A = tpu.sem_alloc : memref<!tpu.dma_semaphore, #tpu.memory_space<semaphore_mem>>
        %dma_start3A_52 = arith.constant 0 : i32
        %dma_start3A_53 = tpu.memref_slice %arg2[%add3A, %dma_start3A_52] : memref<16x32768xf32, #tpu.memory_space<hbm>> -> memref<1x32768xf32, #tpu.memory_space<hbm>>
        %dma_start3A_54 = tpu.memref_squeeze %dma_start3A_53 : memref<1x32768xf32, #tpu.memory_space<hbm>> -> memref<32768xf32, #tpu.memory_space<hbm>>
        %dma_start3A_55 = arith.constant 0 : i32
        %dma_start3A_56 = tpu.memref_slice %arg2[%add3A, %dma_start3A_55] : memref<16x32768xf32, #tpu.memory_space<hbm>> -> memref<1x32768xf32, #tpu.memory_space<hbm>>
        %dma_start3A_57 = tpu.memref_squeeze %dma_start3A_56 : memref<1x32768xf32, #tpu.memory_space<hbm>> -> memref<32768xf32, #tpu.memory_space<hbm>>
        tpu.enqueue_dma source(%dma_start3A_57 : memref<32768xf32, #tpu.memory_space<hbm>>) target(%arg8 : memref<32768xf32, #tpu.memory_space<vmem>>) target_semaphore(%run_scoped3A : memref<!tpu.dma_semaphore, #tpu.memory_space<semaphore_mem>>)
        %dma_wait3A_58 = arith.constant 0 : i32
        %dma_wait3A_59 = tpu.memref_slice %arg2[%add3A, %dma_wait3A_58] : memref<16x32768xf32, #tpu.memory_space<hbm>> -> memref<1x32768xf32, #tpu.memory_space<hbm>>
        %dma_wait3A_60 = tpu.memref_squeeze %dma_wait3A_59 : memref<1x32768xf32, #tpu.memory_space<hbm>> -> memref<32768xf32, #tpu.memory_space<hbm>>
        %dma_wait3A_61 = arith.constant 0 : i32
        %dma_wait3A_62 = tpu.memref_slice %arg2[%add3A, %dma_wait3A_61] : memref<16x32768xf32, #tpu.memory_space<hbm>> -> memref<1x32768xf32, #tpu.memory_space<hbm>>
        %dma_wait3A_63 = tpu.memref_squeeze %dma_wait3A_62 : memref<1x32768xf32, #tpu.memory_space<hbm>> -> memref<32768xf32, #tpu.memory_space<hbm>>
        tpu.wait_dma2 semaphore(%run_scoped3A : memref<!tpu.dma_semaphore, #tpu.memory_space<semaphore_mem>>) src(%dma_wait3A_63 : memref<32768xf32, #tpu.memory_space<hbm>>) dst(%arg8 : memref<32768xf32, #tpu.memory_space<vmem>>)
        tpu.yield
      }) : () -> ()
      "tpu.region"() ({
        %run_scoped3A = tpu.sem_alloc : memref<!tpu.dma_semaphore, #tpu.memory_space<semaphore_mem>>
        %dma_start3A_52 = arith.constant 0 : i32
        %dma_start3A_53 = tpu.memref_slice %arg3[%add3A, %dma_start3A_52] : memref<16x16384xf32, #tpu.memory_space<hbm>> -> memref<1x16384xf32, #tpu.memory_space<hbm>>
        %dma_start3A_54 = tpu.memref_squeeze %dma_start3A_53 : memref<1x16384xf32, #tpu.memory_space<hbm>> -> memref<16384xf32, #tpu.memory_space<hbm>>
        %dma_start3A_55 = arith.constant 0 : i32
        %dma_start3A_56 = tpu.memref_slice %arg3[%add3A, %dma_start3A_55] : memref<16x16384xf32, #tpu.memory_space<hbm>> -> memref<1x16384xf32, #tpu.memory_space<hbm>>
        %dma_start3A_57 = tpu.memref_squeeze %dma_start3A_56 : memref<1x16384xf32, #tpu.memory_space<hbm>> -> memref<16384xf32, #tpu.memory_space<hbm>>
        tpu.enqueue_dma source(%dma_start3A_57 : memref<16384xf32, #tpu.memory_space<hbm>>) target(%arg15 : memref<16384xf32, #tpu.memory_space<vmem>>) target_semaphore(%run_scoped3A : memref<!tpu.dma_semaphore, #tpu.memory_space<semaphore_mem>>)
        %dma_wait3A_58 = arith.constant 0 : i32
        %dma_wait3A_59 = tpu.memref_slice %arg3[%add3A, %dma_wait3A_58] : memref<16x16384xf32, #tpu.memory_space<hbm>> -> memref<1x16384xf32, #tpu.memory_space<hbm>>
        %dma_wait3A_60 = tpu.memref_squeeze %dma_wait3A_59 : memref<1x16384xf32, #tpu.memory_space<hbm>> -> memref<16384xf32, #tpu.memory_space<hbm>>
        %dma_wait3A_61 = arith.constant 0 : i32
        %dma_wait3A_62 = tpu.memref_slice %arg3[%add3A, %dma_wait3A_61] : memref<16x16384xf32, #tpu.memory_space<hbm>> -> memref<1x16384xf32, #tpu.memory_space<hbm>>
        %dma_wait3A_63 = tpu.memref_squeeze %dma_wait3A_62 : memref<1x16384xf32, #tpu.memory_space<hbm>> -> memref<16384xf32, #tpu.memory_space<hbm>>
        tpu.wait_dma2 semaphore(%run_scoped3A : memref<!tpu.dma_semaphore, #tpu.memory_space<semaphore_mem>>) src(%dma_wait3A_63 : memref<16384xf32, #tpu.memory_space<hbm>>) dst(%arg15 : memref<16384xf32, #tpu.memory_space<vmem>>)
        tpu.yield
      }) : () -> ()
      %scan3A = arith.constant 0 : i32
      %scan3A_3 = arith.constant 0 : i32
      %scan3A_4 = arith.constant 512 : i32
      %scan3A_5 = arith.addi %scan3A_3, %scan3A_4 : i32
      %scan3A_6 = arith.constant 1 : i32
      %scan3A_7 = scf.for %scan3A_52 = %scan3A_3 to %scan3A_5 step %scan3A_6 iter_args(%scan3A_53 = %scan3A) -> (i32)  : i32 {
        %swap3A_54 = arith.constant -1 : i32
        %swap3A_55 = arith.index_cast %scan3A_52 : i32 to index
        %swap3A_56 = memref.load %arg17[%swap3A_55] : memref<512xi32, #tpu.memory_space<smem>>
        memref.store %swap3A_54, %arg17[%swap3A_55] : memref<512xi32, #tpu.memory_space<smem>>
        %scan3A_57 = arith.constant 0 : i32
        scf.yield %scan3A_57 : i32
      }
      %scan3A_8 = arith.constant 512 : i32
      %scan3A_9 = arith.constant 0 : i32
      %scan3A_10 = arith.constant 0 : i32
      %scan3A_11 = arith.constant 64 : i32
      %scan3A_12 = arith.addi %scan3A_10, %scan3A_11 : i32
      %scan3A_13 = arith.constant 1 : i32
      %scan3A_14 = scf.for %scan3A_52 = %scan3A_10 to %scan3A_12 step %scan3A_13 iter_args(%scan3A_53 = %scan3A_9) -> (i32)  : i32 {
        %swap3A_54 = arith.constant 0.000000e+00 : f32
        %swap3A_55 = arith.index_cast %scan3A_52 : i32 to index
        %swap3A_56 = memref.load %arg18[%swap3A_55] : memref<64xf32, #tpu.memory_space<smem>>
        memref.store %swap3A_54, %arg18[%swap3A_55] : memref<64xf32, #tpu.memory_space<smem>>
        %scan3A_57 = arith.constant 0 : i32
        scf.yield %scan3A_57 : i32
      }
      %scan3A_15 = arith.constant 64 : i32
      %scan3A_16 = arith.constant 0 : i32
      %scan3A_17 = arith.constant 0 : i32
      %scan3A_18 = arith.constant 32 : i32
      %scan3A_19 = arith.addi %scan3A_17, %scan3A_18 : i32
      %scan3A_20 = arith.constant 1 : i32
      %scan3A_21 = scf.for %scan3A_52 = %scan3A_17 to %scan3A_19 step %scan3A_20 iter_args(%scan3A_53 = %scan3A_16) -> (i32)  : i32 {
        %broadcast_in_dim3A_54 = arith.constant 0.000000e+00 : f32
        %broadcast_in_dim3A_55 = vector.broadcast %broadcast_in_dim3A_54 : f32 to vector<16xf32>
        %mul3A_56 = arith.constant 16 : i32
        %mul3A_57 = arith.muli %scan3A_52, %mul3A_56 : i32
        %swap3A_58 = arith.index_cast %mul3A_57 : i32 to index
        %swap3A_59 = tpu.vector_load %arg9[%swap3A_58] {strides = array<i32>} : memref<512xf32, #tpu.memory_space<vmem>>, vector<16xf32>,
        tpu.vector_store %arg9[%swap3A_58], %broadcast_in_dim3A_55 {strides = array<i32>} : memref<512xf32, #tpu.memory_space<vmem>>, vector<16xf32>,
        %scan3A_60 = arith.constant 0 : i32
        scf.yield %scan3A_60 : i32
      }
      %scan3A_22 = arith.constant 32 : i32
      %iota3A = tpu.iota {dimensions = array<i32: 0>} : vector<16xi32>
      %eq3A = arith.constant 0 : i32
      %eq3A_23 = vector.broadcast %eq3A : i32 to vector<16xi32>
      %eq3A_24 = arith.cmpi eq, %iota3A, %eq3A_23 : vector<16xi32>
      %iota3A_25 = tpu.iota {dimensions = array<i32: 0>} : vector<16xi32>
      %scan3A_26 = arith.constant 0 : i32
      %scan3A_27 = arith.constant 0 : i32
      %scan3A_28 = arith.constant 64 : i32
      %scan3A_29 = arith.addi %scan3A_27, %scan3A_28 : i32
      %scan3A_30 = arith.constant 1 : i32
      %scan3A_31 = scf.for %scan3A_52 = %scan3A_27 to %scan3A_29 step %scan3A_30 iter_args(%scan3A_53 = %scan3A_26) -> (i32)  : i32 {
        %scan3A_54 = arith.constant 0 : i32
        %scan3A_55 = arith.constant 0 : i32
        %scan3A_56 = arith.constant 32 : i32
        %scan3A_57 = arith.addi %scan3A_55, %scan3A_56 : i32
        %scan3A_58 = arith.constant 1 : i32
        %scan3A_59 = scf.for %scan3A_91 = %scan3A_55 to %scan3A_57 step %scan3A_58 iter_args(%scan3A_92 = %scan3A_54) -> (i32)  : i32 {
          %mul3A_93 = arith.constant 16 : i32
          %mul3A_94 = arith.muli %scan3A_91, %mul3A_93 : i32
          %broadcast_in_dim3A_95 = arith.constant 3.000000e+38 : f32
          %broadcast_in_dim3A_96 = vector.broadcast %broadcast_in_dim3A_95 : f32 to vector<16xf32>
          %swap3A_97 = arith.index_cast %mul3A_94 : i32 to index
          %swap3A_98 = tpu.vector_load %arg10[%swap3A_97] {strides = array<i32>} : memref<512xf32, #tpu.memory_space<vmem>>, vector<16xf32>,
          tpu.vector_store %arg10[%swap3A_97], %broadcast_in_dim3A_96 {strides = array<i32>} : memref<512xf32, #tpu.memory_space<vmem>>, vector<16xf32>,
          %broadcast_in_dim3A_99 = arith.constant 0 : i32
          %broadcast_in_dim3A_100 = vector.broadcast %broadcast_in_dim3A_99 : i32 to vector<16xi32>
          %swap3A_101 = arith.index_cast %mul3A_94 : i32 to index
          %swap3A_102 = tpu.vector_load %arg12[%swap3A_101] {strides = array<i32>} : memref<512xi32, #tpu.memory_space<vmem>>, vector<16xi32>,
          tpu.vector_store %arg12[%swap3A_101], %broadcast_in_dim3A_100 {strides = array<i32>} : memref<512xi32, #tpu.memory_space<vmem>>, vector<16xi32>,
          %broadcast_in_dim3A_103 = arith.constant -1 : i32
          %broadcast_in_dim3A_104 = vector.broadcast %broadcast_in_dim3A_103 : i32 to vector<16xi32>
          %swap3A_105 = arith.index_cast %mul3A_94 : i32 to index
          %swap3A_106 = tpu.vector_load %arg11[%swap3A_105] {strides = array<i32>} : memref<512xi32, #tpu.memory_space<vmem>>, vector<16xi32>,
          tpu.vector_store %arg11[%swap3A_105], %broadcast_in_dim3A_104 {strides = array<i32>} : memref<512xi32, #tpu.memory_space<vmem>>, vector<16xi32>,
          %scan3A_107 = arith.constant 0 : i32
          scf.yield %scan3A_107 : i32
        }
        %scan3A_60 = arith.constant 32 : i32
        %add3A_61 = arith.constant 2 : i32
        %add3A_62 = arith.addi %scan3A_52, %add3A_61 : i32
        %while3A = arith.constant 0 : i32
        %while3A_63 = arith.constant -1 : i32
        %while3A_64 = arith.constant 0 : i32
        %while3A_65 = arith.constant false
        %while3A_66 = arith.constant -1 : i32
        %while3A_67 = arith.subi %add3A_62, %while3A : i32
        %while3A_68 = arith.addi %while3A, %while3A_67 : i32
        %while3A_69 = arith.constant 1 : i32
        %while3A_70 = arith.divsi %while3A_67, %while3A_69 : i32
        %while3A_71 = arith.muli %while3A_70, %while3A_69 : i32
        %while3A_72 = arith.addi %while3A, %while3A_71 : i32
        %while3A_73 = arith.constant 1 : i32
        %while3A_74:5 = scf.for %while3A_91 = %while3A to %while3A_72 step %while3A_73 iter_args(%while3A_92 = %while3A_63, %while3A_93 = %scan3A_52, %while3A_94 = %while3A_64, %while3A_95 = %while3A_65, %while3A_96 = %while3A_66) -> (i32, i32, i32, i1, i32)  : i32 {
          %convert_element_type3A_97 = arith.extui %while3A_95 : i1 to i32
          %cond3A_98 = arith.constant 0 : i32
          %cond3A_99 = arith.cmpi ne, %convert_element_type3A_97, %cond3A_98 : i32
          %cond3A_100:5 = scf.if %cond3A_99 -> (i32, i32, i32, i1, i32) {
            scf.yield %while3A_92, %while3A_93, %while3A_94, %while3A_95, %while3A_96 : i32, i32, i32, i1, i32
          } else {
            %max3A = arith.constant 0 : i32
            %max3A_101 = arith.maxsi %while3A_92, %max3A : i32
            %broadcast_in_dim3A_102 = vector.broadcast %max3A_101 : i32 to vector<16xi32>
            %broadcast_in_dim3A_103 = arith.constant 1 : i32
            %broadcast_in_dim3A_104 = vector.broadcast %broadcast_in_dim3A_103 : i32 to vector<16xi32>
            %ge3A = arith.constant 0 : i32
            %ge3A_105 = arith.cmpi sge, %while3A_92, %ge3A : i32
            %broadcast_in_dim3A_106 = vector.broadcast %ge3A_105 : i1 to vector<16xi1>
            %and3A = arith.andi %eq3A_24, %broadcast_in_dim3A_106 : vector<16xi1>
            tpu.vector_store_idx %arg12[%broadcast_in_dim3A_102], %broadcast_in_dim3A_104 masked %and3A : memref<512xi32, #tpu.memory_space<vmem>>[vector<16xi32>], vector<16xi32>, vector<16xi1>
            %swap3A_107 = arith.index_cast %while3A_94 : i32 to index
            %swap3A_108 = memref.load %arg19[%swap3A_107] : memref<64xi32, #tpu.memory_space<smem>>
            memref.store %while3A_93, %arg19[%swap3A_107] : memref<64xi32, #tpu.memory_space<smem>>
            %add3A_109 = arith.constant 1 : i32
            %add3A_110 = arith.addi %while3A_94, %add3A_109 : i32
            %get3A = arith.index_cast %while3A_93 : i32 to index
            %get3A_111 = memref.load %arg18[%get3A] : memref<64xf32, #tpu.memory_space<smem>>
            %broadcast_in_dim3A_112 = vector.broadcast %while3A_92 : i32 to vector<16xi32>
            %broadcast_in_dim3A_113 = arith.constant 3.000000e+38 : f32
            %broadcast_in_dim3A_114 = vector.broadcast %broadcast_in_dim3A_113 : f32 to vector<16xf32>
            %broadcast_in_dim3A_115 = arith.constant 0 : i32
            %broadcast_in_dim3A_116 = vector.broadcast %broadcast_in_dim3A_115 : i32 to vector<16xi32>
            %scan3A_117 = arith.constant 0 : i32
            %scan3A_118 = arith.constant 32 : i32
            %scan3A_119 = arith.addi %scan3A_117, %scan3A_118 : i32
            %scan3A_120 = arith.constant 1 : i32
            %scan3A_121:2 = scf.for %scan3A_161 = %scan3A_117 to %scan3A_119 step %scan3A_120 iter_args(%scan3A_162 = %broadcast_in_dim3A_114, %scan3A_163 = %broadcast_in_dim3A_116) -> (vector<16xf32>, vector<16xi32>)  : i32 {
              %mul3A_164 = arith.constant 16 : i32
              %mul3A_165 = arith.muli %scan3A_161, %mul3A_164 : i32
              %mul3A_166 = arith.constant 512 : i32
              %mul3A_167 = arith.muli %while3A_93, %mul3A_166 : i32
              %mul3A_168 = arith.constant 16 : i32
              %mul3A_169 = arith.muli %scan3A_161, %mul3A_168 : i32
              %add3A_170 = arith.addi %mul3A_167, %mul3A_169 : i32
              %get3A_171 = arith.index_cast %add3A_170 : i32 to index
              %get3A_172 = tpu.vector_load %arg8[%get3A_171] {strides = array<i32>} : memref<32768xf32, #tpu.memory_space<vmem>>, vector<16xf32>,
              %sub3A = vector.broadcast %get3A_111 : f32 to vector<16xf32>
              %sub3A_173 = arith.subf %get3A_172, %sub3A : vector<16xf32>
              %get3A_174 = arith.index_cast %mul3A_165 : i32 to index
              %get3A_175 = tpu.vector_load %arg9[%get3A_174] {strides = array<i32>} : memref<512xf32, #tpu.memory_space<vmem>>, vector<16xf32>,
              %sub3A_176 = arith.subf %sub3A_173, %get3A_175 : vector<16xf32>
              %get3A_177 = arith.index_cast %mul3A_165 : i32 to index
              %get3A_178 = tpu.vector_load %arg12[%get3A_177] {strides = array<i32>} : memref<512xi32, #tpu.memory_space<vmem>>, vector<16xi32>,
              %eq3A_179 = arith.constant 0 : i32
              %eq3A_180 = vector.broadcast %eq3A_179 : i32 to vector<16xi32>
              %eq3A_181 = arith.cmpi eq, %get3A_178, %eq3A_180 : vector<16xi32>
              %get3A_182 = arith.index_cast %mul3A_165 : i32 to index
              %get3A_183 = tpu.vector_load %arg10[%get3A_182] {strides = array<i32>} : memref<512xf32, #tpu.memory_space<vmem>>, vector<16xf32>,
              %lt3A_184 = arith.cmpf olt, %sub3A_176, %get3A_183 : vector<16xf32>
              %and3A_185 = arith.andi %eq3A_181, %lt3A_184 : vector<16xi1>
              %select_n3A_186 = arith.select %and3A_185, %sub3A_176, %get3A_183 : vector<16xi1>, vector<16xf32>
              %swap3A_187 = arith.index_cast %mul3A_165 : i32 to index
              %swap3A_188 = tpu.vector_load %arg10[%swap3A_187] {strides = array<i32>} : memref<512xf32, #tpu.memory_space<vmem>>, vector<16xf32>,
              tpu.vector_store %arg10[%swap3A_187], %select_n3A_186 {strides = array<i32>} : memref<512xf32, #tpu.memory_space<vmem>>, vector<16xf32>,
              %get3A_189 = arith.index_cast %mul3A_165 : i32 to index
              %get3A_190 = tpu.vector_load %arg11[%get3A_189] {strides = array<i32>} : memref<512xi32, #tpu.memory_space<vmem>>, vector<16xi32>,
              %select_n3A_191 = arith.select %and3A_185, %broadcast_in_dim3A_112, %get3A_190 : vector<16xi1>, vector<16xi32>
              %swap3A_192 = arith.index_cast %mul3A_165 : i32 to index
              %swap3A_193 = tpu.vector_load %arg11[%swap3A_192] {strides = array<i32>} : memref<512xi32, #tpu.memory_space<vmem>>, vector<16xi32>,
              tpu.vector_store %arg11[%swap3A_192], %select_n3A_191 {strides = array<i32>} : memref<512xi32, #tpu.memory_space<vmem>>, vector<16xi32>,
              %jit3A_194 = arith.constant 3.000000e+38 : f32
              %broadcast_in_dim3A_195 = vector.broadcast %jit3A_194 : f32 to vector<16xf32>
              %select_n3A_196 = arith.select %eq3A_181, %select_n3A_186, %broadcast_in_dim3A_195 : vector<16xi1>, vector<16xf32>
              %mul3A_197 = arith.constant 16 : i32
              %mul3A_198 = arith.muli %scan3A_161, %mul3A_197 : i32
              %add3A_199 = vector.broadcast %mul3A_198 : i32 to vector<16xi32>
              %add3A_200 = arith.addi %iota3A_25, %add3A_199 : vector<16xi32>
              %lt3A_201 = arith.cmpf olt, %select_n3A_196, %scan3A_162 : vector<16xf32>
              %select_n3A_202 = arith.select %lt3A_201, %select_n3A_196, %scan3A_162 : vector<16xi1>, vector<16xf32>
              %select_n3A_203 = arith.select %lt3A_201, %add3A_200, %scan3A_163 : vector<16xi1>, vector<16xi32>
              scf.yield %select_n3A_202, %select_n3A_203 : vector<16xf32>, vector<16xi32>
            }
            %scan3A_122 = arith.constant 32 : i32
            %reduce_min3A = arith.constant true
            %reduce_min3A_123 = vector.broadcast %reduce_min3A : i1 to vector<16xi1>
            %reduce_min3A_124 = tpu.scan <min>, %scan3A_121#0 masked %reduce_min3A_123 : vector<16xf32>, vector<16xi1> -> vector<16xf32>
            %reduce_min3A_125 = vector.extract %reduce_min3A_124[15] : f32 from vector<16xf32>
            %eq3A_126 = vector.broadcast %reduce_min3A_125 : f32 to vector<16xf32>
            %eq3A_127 = arith.cmpf oeq, %scan3A_121#0, %eq3A_126 : vector<16xf32>
            %jit3A = arith.constant 1073741824 : i32
            %broadcast_in_dim3A_128 = vector.broadcast %jit3A : i32 to vector<16xi32>
            %select_n3A = arith.select %eq3A_127, %scan3A_121#1, %broadcast_in_dim3A_128 : vector<16xi1>, vector<16xi32>
            %reduce_min3A_129 = arith.constant true
            %reduce_min3A_130 = vector.broadcast %reduce_min3A_129 : i1 to vector<16xi1>
            %reduce_min3A_131 = arith.constant -2147483648 : i32
            %reduce_min3A_132 = vector.broadcast %reduce_min3A_131 : i32 to vector<16xi32>
            %reduce_min3A_133 = arith.xori %select_n3A, %reduce_min3A_132 : vector<16xi32>
            %reduce_min3A_134 = tpu.scan <min>, %reduce_min3A_133 masked %reduce_min3A_130 : vector<16xi32>, vector<16xi1> -> vector<16xi32>
            %reduce_min3A_135 = arith.xori %reduce_min3A_134, %reduce_min3A_132 : vector<16xi32>
            %reduce_min3A_136 = vector.extract %reduce_min3A_135[15] : i32 from vector<16xi32>
            %while3A_137 = arith.constant 0 : i32
            %while3A_138 = arith.constant 0 : i32
            %while3A_139 = arith.subi %add3A_110, %while3A_137 : i32
            %while3A_140 = arith.addi %while3A_137, %while3A_139 : i32
            %while3A_141 = arith.constant 1 : i32
            %while3A_142 = arith.divsi %while3A_139, %while3A_141 : i32
            %while3A_143 = arith.muli %while3A_142, %while3A_141 : i32
            %while3A_144 = arith.addi %while3A_137, %while3A_143 : i32
            %while3A_145 = arith.constant 1 : i32
            %while3A_146 = scf.for %while3A_161 = %while3A_137 to %while3A_144 step %while3A_145 iter_args(%while3A_162 = %while3A_138) -> (i32)  : i32 {
              %get3A_163 = arith.index_cast %while3A_161 : i32 to index
              %get3A_164 = memref.load %arg19[%get3A_163] : memref<64xi32, #tpu.memory_space<smem>>
              %get3A_165 = arith.index_cast %get3A_164 : i32 to index
              %get3A_166 = memref.load %arg18[%get3A_165] : memref<64xf32, #tpu.memory_space<smem>>
              %add3A_167 = arith.addf %get3A_166, %reduce_min3A_125 : f32
              %swap3A_168 = arith.index_cast %get3A_164 : i32 to index
              %swap3A_169 = memref.load %arg18[%swap3A_168] : memref<64xf32, #tpu.memory_space<smem>>
              memref.store %add3A_167, %arg18[%swap3A_168] : memref<64xf32, #tpu.memory_space<smem>>
              %while3A_170 = arith.constant 0 : i32
              scf.yield %while3A_170 : i32
            }
            %while3A_147 = arith.constant 1 : i32
            %while3A_148 = scf.for %while3A_161 = %while3A_144 to %while3A_140 step %while3A_147 iter_args(%while3A_162 = %while3A_146) -> (i32)  : i32 {
              %get3A_163 = arith.index_cast %while3A_161 : i32 to index
              %get3A_164 = memref.load %arg19[%get3A_163] : memref<64xi32, #tpu.memory_space<smem>>
              %get3A_165 = arith.index_cast %get3A_164 : i32 to index
              %get3A_166 = memref.load %arg18[%get3A_165] : memref<64xf32, #tpu.memory_space<smem>>
              %add3A_167 = arith.addf %get3A_166, %reduce_min3A_125 : f32
              %swap3A_168 = arith.index_cast %get3A_164 : i32 to index
              %swap3A_169 = memref.load %arg18[%swap3A_168] : memref<64xf32, #tpu.memory_space<smem>>
              memref.store %add3A_167, %arg18[%swap3A_168] : memref<64xf32, #tpu.memory_space<smem>>
              %while3A_170 = arith.constant 0 : i32
              scf.yield %while3A_170 : i32
            }
            %scan3A_149 = arith.constant 0 : i32
            %scan3A_150 = arith.constant 0 : i32
            %scan3A_151 = arith.constant 32 : i32
            %scan3A_152 = arith.addi %scan3A_150, %scan3A_151 : i32
            %scan3A_153 = arith.constant 1 : i32
            %scan3A_154 = scf.for %scan3A_161 = %scan3A_150 to %scan3A_152 step %scan3A_153 iter_args(%scan3A_162 = %scan3A_149) -> (i32)  : i32 {
              %mul3A_163 = arith.constant 16 : i32
              %mul3A_164 = arith.muli %scan3A_161, %mul3A_163 : i32
              %get3A_165 = arith.index_cast %mul3A_164 : i32 to index
              %get3A_166 = tpu.vector_load %arg12[%get3A_165] {strides = array<i32>} : memref<512xi32, #tpu.memory_space<vmem>>, vector<16xi32>,
              %eq3A_167 = arith.constant 0 : i32
              %eq3A_168 = vector.broadcast %eq3A_167 : i32 to vector<16xi32>
              %eq3A_169 = arith.cmpi eq, %get3A_166, %eq3A_168 : vector<16xi32>
              %get3A_170 = arith.index_cast %mul3A_164 : i32 to index
              %get3A_171 = tpu.vector_load %arg9[%get3A_170] {strides = array<i32>} : memref<512xf32, #tpu.memory_space<vmem>>, vector<16xf32>,
              %sub3A = vector.broadcast %reduce_min3A_125 : f32 to vector<16xf32>
              %sub3A_172 = arith.subf %get3A_171, %sub3A : vector<16xf32>
              %select_n3A_173 = arith.select %eq3A_169, %get3A_171, %sub3A_172 : vector<16xi1>, vector<16xf32>
              %swap3A_174 = arith.index_cast %mul3A_164 : i32 to index
              %swap3A_175 = tpu.vector_load %arg9[%swap3A_174] {strides = array<i32>} : memref<512xf32, #tpu.memory_space<vmem>>, vector<16xf32>,
              tpu.vector_store %arg9[%swap3A_174], %select_n3A_173 {strides = array<i32>} : memref<512xf32, #tpu.memory_space<vmem>>, vector<16xf32>,
              %get3A_176 = arith.index_cast %mul3A_164 : i32 to index
              %get3A_177 = tpu.vector_load %arg10[%get3A_176] {strides = array<i32>} : memref<512xf32, #tpu.memory_space<vmem>>, vector<16xf32>,
              %sub3A_178 = vector.broadcast %reduce_min3A_125 : f32 to vector<16xf32>
              %sub3A_179 = arith.subf %get3A_177, %sub3A_178 : vector<16xf32>
              %select_n3A_180 = arith.select %eq3A_169, %sub3A_179, %get3A_177 : vector<16xi1>, vector<16xf32>
              %swap3A_181 = arith.index_cast %mul3A_164 : i32 to index
              %swap3A_182 = tpu.vector_load %arg10[%swap3A_181] {strides = array<i32>} : memref<512xf32, #tpu.memory_space<vmem>>, vector<16xf32>,
              tpu.vector_store %arg10[%swap3A_181], %select_n3A_180 {strides = array<i32>} : memref<512xf32, #tpu.memory_space<vmem>>, vector<16xf32>,
              %scan3A_183 = arith.constant 0 : i32
              scf.yield %scan3A_183 : i32
            }
            %scan3A_155 = arith.constant 32 : i32
            %get3A_156 = arith.index_cast %reduce_min3A_136 : i32 to index
            %get3A_157 = memref.load %arg17[%get3A_156] : memref<512xi32, #tpu.memory_space<smem>>
            %lt3A_158 = arith.constant 0 : i32
            %lt3A_159 = arith.cmpi slt, %get3A_157, %lt3A_158 : i32
            %select_n3A_160 = arith.select %lt3A_159, %while3A_93, %get3A_157 : i32
            scf.yield %reduce_min3A_136, %select_n3A_160, %add3A_110, %lt3A_159, %reduce_min3A_136 : i32, i32, i32, i1, i32
          }
          scf.yield %cond3A_100#0, %cond3A_100#1, %cond3A_100#2, %cond3A_100#3, %cond3A_100#4 : i32, i32, i32, i1, i32
        }
        %while3A_75 = arith.constant 1 : i32
        %while3A_76:5 = scf.for %while3A_91 = %while3A_72 to %while3A_68 step %while3A_75 iter_args(%while3A_92 = %while3A_74#0, %while3A_93 = %while3A_74#1, %while3A_94 = %while3A_74#2, %while3A_95 = %while3A_74#3, %while3A_96 = %while3A_74#4) -> (i32, i32, i32, i1, i32)  : i32 {
          %convert_element_type3A_97 = arith.extui %while3A_95 : i1 to i32
          %cond3A_98 = arith.constant 0 : i32
          %cond3A_99 = arith.cmpi ne, %convert_element_type3A_97, %cond3A_98 : i32
          %cond3A_100:5 = scf.if %cond3A_99 -> (i32, i32, i32, i1, i32) {
            scf.yield %while3A_92, %while3A_93, %while3A_94, %while3A_95, %while3A_96 : i32, i32, i32, i1, i32
          } else {
            %max3A = arith.constant 0 : i32
            %max3A_101 = arith.maxsi %while3A_92, %max3A : i32
            %broadcast_in_dim3A_102 = vector.broadcast %max3A_101 : i32 to vector<16xi32>
            %broadcast_in_dim3A_103 = arith.constant 1 : i32
            %broadcast_in_dim3A_104 = vector.broadcast %broadcast_in_dim3A_103 : i32 to vector<16xi32>
            %ge3A = arith.constant 0 : i32
            %ge3A_105 = arith.cmpi sge, %while3A_92, %ge3A : i32
            %broadcast_in_dim3A_106 = vector.broadcast %ge3A_105 : i1 to vector<16xi1>
            %and3A = arith.andi %eq3A_24, %broadcast_in_dim3A_106 : vector<16xi1>
            tpu.vector_store_idx %arg12[%broadcast_in_dim3A_102], %broadcast_in_dim3A_104 masked %and3A : memref<512xi32, #tpu.memory_space<vmem>>[vector<16xi32>], vector<16xi32>, vector<16xi1>
            %swap3A_107 = arith.index_cast %while3A_94 : i32 to index
            %swap3A_108 = memref.load %arg19[%swap3A_107] : memref<64xi32, #tpu.memory_space<smem>>
            memref.store %while3A_93, %arg19[%swap3A_107] : memref<64xi32, #tpu.memory_space<smem>>
            %add3A_109 = arith.constant 1 : i32
            %add3A_110 = arith.addi %while3A_94, %add3A_109 : i32
            %get3A = arith.index_cast %while3A_93 : i32 to index
            %get3A_111 = memref.load %arg18[%get3A] : memref<64xf32, #tpu.memory_space<smem>>
            %broadcast_in_dim3A_112 = vector.broadcast %while3A_92 : i32 to vector<16xi32>
            %broadcast_in_dim3A_113 = arith.constant 3.000000e+38 : f32
            %broadcast_in_dim3A_114 = vector.broadcast %broadcast_in_dim3A_113 : f32 to vector<16xf32>
            %broadcast_in_dim3A_115 = arith.constant 0 : i32
            %broadcast_in_dim3A_116 = vector.broadcast %broadcast_in_dim3A_115 : i32 to vector<16xi32>
            %scan3A_117 = arith.constant 0 : i32
            %scan3A_118 = arith.constant 32 : i32
            %scan3A_119 = arith.addi %scan3A_117, %scan3A_118 : i32
            %scan3A_120 = arith.constant 1 : i32
            %scan3A_121:2 = scf.for %scan3A_161 = %scan3A_117 to %scan3A_119 step %scan3A_120 iter_args(%scan3A_162 = %broadcast_in_dim3A_114, %scan3A_163 = %broadcast_in_dim3A_116) -> (vector<16xf32>, vector<16xi32>)  : i32 {
              %mul3A_164 = arith.constant 16 : i32
              %mul3A_165 = arith.muli %scan3A_161, %mul3A_164 : i32
              %mul3A_166 = arith.constant 512 : i32
              %mul3A_167 = arith.muli %while3A_93, %mul3A_166 : i32
              %mul3A_168 = arith.constant 16 : i32
              %mul3A_169 = arith.muli %scan3A_161, %mul3A_168 : i32
              %add3A_170 = arith.addi %mul3A_167, %mul3A_169 : i32
              %get3A_171 = arith.index_cast %add3A_170 : i32 to index
              %get3A_172 = tpu.vector_load %arg8[%get3A_171] {strides = array<i32>} : memref<32768xf32, #tpu.memory_space<vmem>>, vector<16xf32>,
              %sub3A = vector.broadcast %get3A_111 : f32 to vector<16xf32>
              %sub3A_173 = arith.subf %get3A_172, %sub3A : vector<16xf32>
              %get3A_174 = arith.index_cast %mul3A_165 : i32 to index
              %get3A_175 = tpu.vector_load %arg9[%get3A_174] {strides = array<i32>} : memref<512xf32, #tpu.memory_space<vmem>>, vector<16xf32>,
              %sub3A_176 = arith.subf %sub3A_173, %get3A_175 : vector<16xf32>
              %get3A_177 = arith.index_cast %mul3A_165 : i32 to index
              %get3A_178 = tpu.vector_load %arg12[%get3A_177] {strides = array<i32>} : memref<512xi32, #tpu.memory_space<vmem>>, vector<16xi32>,
              %eq3A_179 = arith.constant 0 : i32
              %eq3A_180 = vector.broadcast %eq3A_179 : i32 to vector<16xi32>
              %eq3A_181 = arith.cmpi eq, %get3A_178, %eq3A_180 : vector<16xi32>
              %get3A_182 = arith.index_cast %mul3A_165 : i32 to index
              %get3A_183 = tpu.vector_load %arg10[%get3A_182] {strides = array<i32>} : memref<512xf32, #tpu.memory_space<vmem>>, vector<16xf32>,
              %lt3A_184 = arith.cmpf olt, %sub3A_176, %get3A_183 : vector<16xf32>
              %and3A_185 = arith.andi %eq3A_181, %lt3A_184 : vector<16xi1>
              %select_n3A_186 = arith.select %and3A_185, %sub3A_176, %get3A_183 : vector<16xi1>, vector<16xf32>
              %swap3A_187 = arith.index_cast %mul3A_165 : i32 to index
              %swap3A_188 = tpu.vector_load %arg10[%swap3A_187] {strides = array<i32>} : memref<512xf32, #tpu.memory_space<vmem>>, vector<16xf32>,
              tpu.vector_store %arg10[%swap3A_187], %select_n3A_186 {strides = array<i32>} : memref<512xf32, #tpu.memory_space<vmem>>, vector<16xf32>,
              %get3A_189 = arith.index_cast %mul3A_165 : i32 to index
              %get3A_190 = tpu.vector_load %arg11[%get3A_189] {strides = array<i32>} : memref<512xi32, #tpu.memory_space<vmem>>, vector<16xi32>,
              %select_n3A_191 = arith.select %and3A_185, %broadcast_in_dim3A_112, %get3A_190 : vector<16xi1>, vector<16xi32>
              %swap3A_192 = arith.index_cast %mul3A_165 : i32 to index
              %swap3A_193 = tpu.vector_load %arg11[%swap3A_192] {strides = array<i32>} : memref<512xi32, #tpu.memory_space<vmem>>, vector<16xi32>,
              tpu.vector_store %arg11[%swap3A_192], %select_n3A_191 {strides = array<i32>} : memref<512xi32, #tpu.memory_space<vmem>>, vector<16xi32>,
              %jit3A_194 = arith.constant 3.000000e+38 : f32
              %broadcast_in_dim3A_195 = vector.broadcast %jit3A_194 : f32 to vector<16xf32>
              %select_n3A_196 = arith.select %eq3A_181, %select_n3A_186, %broadcast_in_dim3A_195 : vector<16xi1>, vector<16xf32>
              %mul3A_197 = arith.constant 16 : i32
              %mul3A_198 = arith.muli %scan3A_161, %mul3A_197 : i32
              %add3A_199 = vector.broadcast %mul3A_198 : i32 to vector<16xi32>
              %add3A_200 = arith.addi %iota3A_25, %add3A_199 : vector<16xi32>
              %lt3A_201 = arith.cmpf olt, %select_n3A_196, %scan3A_162 : vector<16xf32>
              %select_n3A_202 = arith.select %lt3A_201, %select_n3A_196, %scan3A_162 : vector<16xi1>, vector<16xf32>
              %select_n3A_203 = arith.select %lt3A_201, %add3A_200, %scan3A_163 : vector<16xi1>, vector<16xi32>
              scf.yield %select_n3A_202, %select_n3A_203 : vector<16xf32>, vector<16xi32>
            }
            %scan3A_122 = arith.constant 32 : i32
            %reduce_min3A = arith.constant true
            %reduce_min3A_123 = vector.broadcast %reduce_min3A : i1 to vector<16xi1>
            %reduce_min3A_124 = tpu.scan <min>, %scan3A_121#0 masked %reduce_min3A_123 : vector<16xf32>, vector<16xi1> -> vector<16xf32>
            %reduce_min3A_125 = vector.extract %reduce_min3A_124[15] : f32 from vector<16xf32>
            %eq3A_126 = vector.broadcast %reduce_min3A_125 : f32 to vector<16xf32>
            %eq3A_127 = arith.cmpf oeq, %scan3A_121#0, %eq3A_126 : vector<16xf32>
            %jit3A = arith.constant 1073741824 : i32
            %broadcast_in_dim3A_128 = vector.broadcast %jit3A : i32 to vector<16xi32>
            %select_n3A = arith.select %eq3A_127, %scan3A_121#1, %broadcast_in_dim3A_128 : vector<16xi1>, vector<16xi32>
            %reduce_min3A_129 = arith.constant true
            %reduce_min3A_130 = vector.broadcast %reduce_min3A_129 : i1 to vector<16xi1>
            %reduce_min3A_131 = arith.constant -2147483648 : i32
            %reduce_min3A_132 = vector.broadcast %reduce_min3A_131 : i32 to vector<16xi32>
            %reduce_min3A_133 = arith.xori %select_n3A, %reduce_min3A_132 : vector<16xi32>
            %reduce_min3A_134 = tpu.scan <min>, %reduce_min3A_133 masked %reduce_min3A_130 : vector<16xi32>, vector<16xi1> -> vector<16xi32>
            %reduce_min3A_135 = arith.xori %reduce_min3A_134, %reduce_min3A_132 : vector<16xi32>
            %reduce_min3A_136 = vector.extract %reduce_min3A_135[15] : i32 from vector<16xi32>
            %while3A_137 = arith.constant 0 : i32
            %while3A_138 = arith.constant 0 : i32
            %while3A_139 = arith.subi %add3A_110, %while3A_137 : i32
            %while3A_140 = arith.addi %while3A_137, %while3A_139 : i32
            %while3A_141 = arith.constant 1 : i32
            %while3A_142 = arith.divsi %while3A_139, %while3A_141 : i32
            %while3A_143 = arith.muli %while3A_142, %while3A_141 : i32
            %while3A_144 = arith.addi %while3A_137, %while3A_143 : i32
            %while3A_145 = arith.constant 1 : i32
            %while3A_146 = scf.for %while3A_161 = %while3A_137 to %while3A_144 step %while3A_145 iter_args(%while3A_162 = %while3A_138) -> (i32)  : i32 {
              %get3A_163 = arith.index_cast %while3A_161 : i32 to index
              %get3A_164 = memref.load %arg19[%get3A_163] : memref<64xi32, #tpu.memory_space<smem>>
              %get3A_165 = arith.index_cast %get3A_164 : i32 to index
              %get3A_166 = memref.load %arg18[%get3A_165] : memref<64xf32, #tpu.memory_space<smem>>
              %add3A_167 = arith.addf %get3A_166, %reduce_min3A_125 : f32
              %swap3A_168 = arith.index_cast %get3A_164 : i32 to index
              %swap3A_169 = memref.load %arg18[%swap3A_168] : memref<64xf32, #tpu.memory_space<smem>>
              memref.store %add3A_167, %arg18[%swap3A_168] : memref<64xf32, #tpu.memory_space<smem>>
              %while3A_170 = arith.constant 0 : i32
              scf.yield %while3A_170 : i32
            }
            %while3A_147 = arith.constant 1 : i32
            %while3A_148 = scf.for %while3A_161 = %while3A_144 to %while3A_140 step %while3A_147 iter_args(%while3A_162 = %while3A_146) -> (i32)  : i32 {
              %get3A_163 = arith.index_cast %while3A_161 : i32 to index
              %get3A_164 = memref.load %arg19[%get3A_163] : memref<64xi32, #tpu.memory_space<smem>>
              %get3A_165 = arith.index_cast %get3A_164 : i32 to index
              %get3A_166 = memref.load %arg18[%get3A_165] : memref<64xf32, #tpu.memory_space<smem>>
              %add3A_167 = arith.addf %get3A_166, %reduce_min3A_125 : f32
              %swap3A_168 = arith.index_cast %get3A_164 : i32 to index
              %swap3A_169 = memref.load %arg18[%swap3A_168] : memref<64xf32, #tpu.memory_space<smem>>
              memref.store %add3A_167, %arg18[%swap3A_168] : memref<64xf32, #tpu.memory_space<smem>>
              %while3A_170 = arith.constant 0 : i32
              scf.yield %while3A_170 : i32
            }
            %scan3A_149 = arith.constant 0 : i32
            %scan3A_150 = arith.constant 0 : i32
            %scan3A_151 = arith.constant 32 : i32
            %scan3A_152 = arith.addi %scan3A_150, %scan3A_151 : i32
            %scan3A_153 = arith.constant 1 : i32
            %scan3A_154 = scf.for %scan3A_161 = %scan3A_150 to %scan3A_152 step %scan3A_153 iter_args(%scan3A_162 = %scan3A_149) -> (i32)  : i32 {
              %mul3A_163 = arith.constant 16 : i32
              %mul3A_164 = arith.muli %scan3A_161, %mul3A_163 : i32
              %get3A_165 = arith.index_cast %mul3A_164 : i32 to index
              %get3A_166 = tpu.vector_load %arg12[%get3A_165] {strides = array<i32>} : memref<512xi32, #tpu.memory_space<vmem>>, vector<16xi32>,
              %eq3A_167 = arith.constant 0 : i32
              %eq3A_168 = vector.broadcast %eq3A_167 : i32 to vector<16xi32>
              %eq3A_169 = arith.cmpi eq, %get3A_166, %eq3A_168 : vector<16xi32>
              %get3A_170 = arith.index_cast %mul3A_164 : i32 to index
              %get3A_171 = tpu.vector_load %arg9[%get3A_170] {strides = array<i32>} : memref<512xf32, #tpu.memory_space<vmem>>, vector<16xf32>,
              %sub3A = vector.broadcast %reduce_min3A_125 : f32 to vector<16xf32>
              %sub3A_172 = arith.subf %get3A_171, %sub3A : vector<16xf32>
              %select_n3A_173 = arith.select %eq3A_169, %get3A_171, %sub3A_172 : vector<16xi1>, vector<16xf32>
              %swap3A_174 = arith.index_cast %mul3A_164 : i32 to index
              %swap3A_175 = tpu.vector_load %arg9[%swap3A_174] {strides = array<i32>} : memref<512xf32, #tpu.memory_space<vmem>>, vector<16xf32>,
              tpu.vector_store %arg9[%swap3A_174], %select_n3A_173 {strides = array<i32>} : memref<512xf32, #tpu.memory_space<vmem>>, vector<16xf32>,
              %get3A_176 = arith.index_cast %mul3A_164 : i32 to index
              %get3A_177 = tpu.vector_load %arg10[%get3A_176] {strides = array<i32>} : memref<512xf32, #tpu.memory_space<vmem>>, vector<16xf32>,
              %sub3A_178 = vector.broadcast %reduce_min3A_125 : f32 to vector<16xf32>
              %sub3A_179 = arith.subf %get3A_177, %sub3A_178 : vector<16xf32>
              %select_n3A_180 = arith.select %eq3A_169, %sub3A_179, %get3A_177 : vector<16xi1>, vector<16xf32>
              %swap3A_181 = arith.index_cast %mul3A_164 : i32 to index
              %swap3A_182 = tpu.vector_load %arg10[%swap3A_181] {strides = array<i32>} : memref<512xf32, #tpu.memory_space<vmem>>, vector<16xf32>,
              tpu.vector_store %arg10[%swap3A_181], %select_n3A_180 {strides = array<i32>} : memref<512xf32, #tpu.memory_space<vmem>>, vector<16xf32>,
              %scan3A_183 = arith.constant 0 : i32
              scf.yield %scan3A_183 : i32
            }
            %scan3A_155 = arith.constant 32 : i32
            %get3A_156 = arith.index_cast %reduce_min3A_136 : i32 to index
            %get3A_157 = memref.load %arg17[%get3A_156] : memref<512xi32, #tpu.memory_space<smem>>
            %lt3A_158 = arith.constant 0 : i32
            %lt3A_159 = arith.cmpi slt, %get3A_157, %lt3A_158 : i32
            %select_n3A_160 = arith.select %lt3A_159, %while3A_93, %get3A_157 : i32
            scf.yield %reduce_min3A_136, %select_n3A_160, %add3A_110, %lt3A_159, %reduce_min3A_136 : i32, i32, i32, i1, i32
          }
          scf.yield %cond3A_100#0, %cond3A_100#1, %cond3A_100#2, %cond3A_100#3, %cond3A_100#4 : i32, i32, i32, i1, i32
        }
        %add3A_77 = arith.constant 2 : i32
        %add3A_78 = arith.addi %scan3A_52, %add3A_77 : i32
        %while3A_79 = arith.constant 0 : i32
        %while3A_80 = arith.subi %add3A_78, %while3A_79 : i32
        %while3A_81 = arith.addi %while3A_79, %while3A_80 : i32
        %while3A_82 = arith.constant 1 : i32
        %while3A_83 = arith.divsi %while3A_80, %while3A_82 : i32
        %while3A_84 = arith.muli %while3A_83, %while3A_82 : i32
        %while3A_85 = arith.addi %while3A_79, %while3A_84 : i32
        %while3A_86 = arith.constant 1 : i32
        %while3A_87 = scf.for %while3A_91 = %while3A_79 to %while3A_85 step %while3A_86 iter_args(%while3A_92 = %while3A_76#4) -> (i32)  : i32 {
          %lt3A_93 = arith.constant 0 : i32
          %lt3A_94 = arith.cmpi slt, %while3A_92, %lt3A_93 : i32
          %convert_element_type3A_95 = arith.extui %lt3A_94 : i1 to i32
          %cond3A_96 = arith.constant 0 : i32
          %cond3A_97 = arith.cmpi ne, %convert_element_type3A_95, %cond3A_96 : i32
          %cond3A_98 = scf.if %cond3A_97 -> (i32) {
            scf.yield %while3A_92 : i32
          } else {
            %broadcast_in_dim3A_99 = vector.broadcast %while3A_92 : i32 to vector<16xi32>
            %gather3A = tpu.vector_load_idx %arg11[%broadcast_in_dim3A_99] : memref<512xi32, #tpu.memory_space<vmem>>[vector<16xi32>], vector<16xi32>,
            %reduce_min3A = arith.constant true
            %reduce_min3A_100 = vector.broadcast %reduce_min3A : i1 to vector<16xi1>
            %reduce_min3A_101 = arith.constant -2147483648 : i32
            %reduce_min3A_102 = vector.broadcast %reduce_min3A_101 : i32 to vector<16xi32>
            %reduce_min3A_103 = arith.xori %gather3A, %reduce_min3A_102 : vector<16xi32>
            %reduce_min3A_104 = tpu.scan <min>, %reduce_min3A_103 masked %reduce_min3A_100 : vector<16xi32>, vector<16xi1> -> vector<16xi32>
            %reduce_min3A_105 = arith.xori %reduce_min3A_104, %reduce_min3A_102 : vector<16xi32>
            %reduce_min3A_106 = vector.extract %reduce_min3A_105[15] : i32 from vector<16xi32>
            %lt3A_107 = arith.constant 0 : i32
            %lt3A_108 = arith.cmpi slt, %reduce_min3A_106, %lt3A_107 : i32
            %max3A = arith.constant 0 : i32
            %max3A_109 = arith.maxsi %reduce_min3A_106, %max3A : i32
            %get3A = arith.index_cast %max3A_109 : i32 to index
            %get3A_110 = memref.load %arg17[%get3A] : memref<512xi32, #tpu.memory_space<smem>>
            %select_n3A = arith.select %lt3A_108, %scan3A_52, %get3A_110 : i32
            %swap3A_111 = arith.index_cast %while3A_92 : i32 to index
            %swap3A_112 = memref.load %arg17[%swap3A_111] : memref<512xi32, #tpu.memory_space<smem>>
            memref.store %select_n3A, %arg17[%swap3A_111] : memref<512xi32, #tpu.memory_space<smem>>
            scf.yield %reduce_min3A_106 : i32
          }
          scf.yield %cond3A_98 : i32
        }
        %while3A_88 = arith.constant 1 : i32
        %while3A_89 = scf.for %while3A_91 = %while3A_85 to %while3A_81 step %while3A_88 iter_args(%while3A_92 = %while3A_87) -> (i32)  : i32 {
          %lt3A_93 = arith.constant 0 : i32
          %lt3A_94 = arith.cmpi slt, %while3A_92, %lt3A_93 : i32
          %convert_element_type3A_95 = arith.extui %lt3A_94 : i1 to i32
          %cond3A_96 = arith.constant 0 : i32
          %cond3A_97 = arith.cmpi ne, %convert_element_type3A_95, %cond3A_96 : i32
          %cond3A_98 = scf.if %cond3A_97 -> (i32) {
            scf.yield %while3A_92 : i32
          } else {
            %broadcast_in_dim3A_99 = vector.broadcast %while3A_92 : i32 to vector<16xi32>
            %gather3A = tpu.vector_load_idx %arg11[%broadcast_in_dim3A_99] : memref<512xi32, #tpu.memory_space<vmem>>[vector<16xi32>], vector<16xi32>,
            %reduce_min3A = arith.constant true
            %reduce_min3A_100 = vector.broadcast %reduce_min3A : i1 to vector<16xi1>
            %reduce_min3A_101 = arith.constant -2147483648 : i32
            %reduce_min3A_102 = vector.broadcast %reduce_min3A_101 : i32 to vector<16xi32>
            %reduce_min3A_103 = arith.xori %gather3A, %reduce_min3A_102 : vector<16xi32>
            %reduce_min3A_104 = tpu.scan <min>, %reduce_min3A_103 masked %reduce_min3A_100 : vector<16xi32>, vector<16xi1> -> vector<16xi32>
            %reduce_min3A_105 = arith.xori %reduce_min3A_104, %reduce_min3A_102 : vector<16xi32>
            %reduce_min3A_106 = vector.extract %reduce_min3A_105[15] : i32 from vector<16xi32>
            %lt3A_107 = arith.constant 0 : i32
            %lt3A_108 = arith.cmpi slt, %reduce_min3A_106, %lt3A_107 : i32
            %max3A = arith.constant 0 : i32
            %max3A_109 = arith.maxsi %reduce_min3A_106, %max3A : i32
            %get3A = arith.index_cast %max3A_109 : i32 to index
            %get3A_110 = memref.load %arg17[%get3A] : memref<512xi32, #tpu.memory_space<smem>>
            %select_n3A = arith.select %lt3A_108, %scan3A_52, %get3A_110 : i32
            %swap3A_111 = arith.index_cast %while3A_92 : i32 to index
            %swap3A_112 = memref.load %arg17[%swap3A_111] : memref<512xi32, #tpu.memory_space<smem>>
            memref.store %select_n3A, %arg17[%swap3A_111] : memref<512xi32, #tpu.memory_space<smem>>
            scf.yield %reduce_min3A_106 : i32
          }
          scf.yield %cond3A_98 : i32
        }
        %scan3A_90 = arith.constant 0 : i32
        scf.yield %scan3A_90 : i32
      }
      %scan3A_32 = arith.constant 64 : i32
      %scan3A_33 = arith.constant 0 : i32
      %scan3A_34 = arith.constant 0 : i32
      %scan3A_35 = arith.constant 512 : i32
      %scan3A_36 = arith.addi %scan3A_34, %scan3A_35 : i32
      %scan3A_37 = arith.constant 1 : i32
      %scan3A_38 = scf.for %scan3A_52 = %scan3A_34 to %scan3A_36 step %scan3A_37 iter_args(%scan3A_53 = %scan3A_33) -> (i32)  : i32 {
        %get3A = arith.index_cast %scan3A_52 : i32 to index
        %get3A_54 = memref.load %arg17[%get3A] : memref<512xi32, #tpu.memory_space<smem>>
        %max3A = arith.constant 0 : i32
        %max3A_55 = arith.maxsi %get3A_54, %max3A : i32
        %broadcast_in_dim3A_56 = vector.broadcast %max3A_55 : i32 to vector<16xi32>
        %broadcast_in_dim3A_57 = vector.broadcast %scan3A_52 : i32 to vector<16xi32>
        %ge3A = arith.constant 0 : i32
        %ge3A_58 = arith.cmpi sge, %get3A_54, %ge3A : i32
        %broadcast_in_dim3A_59 = vector.broadcast %ge3A_58 : i1 to vector<16xi1>
        %and3A = arith.andi %eq3A_24, %broadcast_in_dim3A_59 : vector<16xi1>
        tpu.vector_store_idx %arg13[%broadcast_in_dim3A_56], %broadcast_in_dim3A_57 masked %and3A : memref<64xi32, #tpu.memory_space<vmem>>[vector<16xi32>], vector<16xi32>, vector<16xi1>
        %scan3A_60 = arith.constant 0 : i32
        scf.yield %scan3A_60 : i32
      }
      %scan3A_39 = arith.constant 512 : i32
      "tpu.region"() ({
        %run_scoped3A = tpu.sem_alloc : memref<!tpu.dma_semaphore, #tpu.memory_space<semaphore_mem>>
        %dma_start3A_52 = arith.constant 0 : i32
        %dma_start3A_53 = tpu.memref_slice %arg5[%add3A, %dma_start3A_52] : memref<16x64xi32, #tpu.memory_space<hbm>> -> memref<1x64xi32, #tpu.memory_space<hbm>>
        %dma_start3A_54 = tpu.memref_squeeze %dma_start3A_53 : memref<1x64xi32, #tpu.memory_space<hbm>> -> memref<64xi32, #tpu.memory_space<hbm>>
        %dma_start3A_55 = arith.constant 0 : i32
        %dma_start3A_56 = tpu.memref_slice %arg5[%add3A, %dma_start3A_55] : memref<16x64xi32, #tpu.memory_space<hbm>> -> memref<1x64xi32, #tpu.memory_space<hbm>>
        %dma_start3A_57 = tpu.memref_squeeze %dma_start3A_56 : memref<1x64xi32, #tpu.memory_space<hbm>> -> memref<64xi32, #tpu.memory_space<hbm>>
        tpu.enqueue_dma source(%arg13 : memref<64xi32, #tpu.memory_space<vmem>>) target(%dma_start3A_57 : memref<64xi32, #tpu.memory_space<hbm>>) target_semaphore(%run_scoped3A : memref<!tpu.dma_semaphore, #tpu.memory_space<semaphore_mem>>)
        %dma_wait3A_58 = arith.constant 0 : i32
        %dma_wait3A_59 = tpu.memref_slice %arg5[%add3A, %dma_wait3A_58] : memref<16x64xi32, #tpu.memory_space<hbm>> -> memref<1x64xi32, #tpu.memory_space<hbm>>
        %dma_wait3A_60 = tpu.memref_squeeze %dma_wait3A_59 : memref<1x64xi32, #tpu.memory_space<hbm>> -> memref<64xi32, #tpu.memory_space<hbm>>
        %dma_wait3A_61 = arith.constant 0 : i32
        %dma_wait3A_62 = tpu.memref_slice %arg5[%add3A, %dma_wait3A_61] : memref<16x64xi32, #tpu.memory_space<hbm>> -> memref<1x64xi32, #tpu.memory_space<hbm>>
        %dma_wait3A_63 = tpu.memref_squeeze %dma_wait3A_62 : memref<1x64xi32, #tpu.memory_space<hbm>> -> memref<64xi32, #tpu.memory_space<hbm>>
        tpu.wait_dma2 semaphore(%run_scoped3A : memref<!tpu.dma_semaphore, #tpu.memory_space<semaphore_mem>>) src(%arg13 : memref<64xi32, #tpu.memory_space<vmem>>) dst(%dma_wait3A_63 : memref<64xi32, #tpu.memory_space<hbm>>)
        tpu.yield
      }) : () -> ()
      %dma_start3A = arith.constant 0 : i32
      %dma_start3A_40 = arith.constant 0 : i32
      %dma_start3A_41 = tpu.memref_slice %arg4[%dma_start3A, %dma_start3A_40] : memref<512x256xf32, #tpu.memory_space<hbm>> -> memref<512x256xf32, #tpu.memory_space<hbm>>
      tpu.enqueue_indirect_dma source(%dma_start3A_41 : memref<512x256xf32, #tpu.memory_space<hbm>>) target(%arg14 : memref<64x256xf32, #tpu.memory_space<vmem>>) offsets(%arg13 : memref<64xi32, #tpu.memory_space<vmem>>) semaphore(%arg20 : memref<!tpu.dma_semaphore, #tpu.memory_space<semaphore_mem>>)
      %dma_wait3A = arith.constant 0 : i32
      %dma_wait3A_42 = arith.constant 0 : i32
      %dma_wait3A_43 = tpu.memref_slice %arg4[%dma_wait3A, %dma_wait3A_42] : memref<512x256xf32, #tpu.memory_space<hbm>> -> memref<512x256xf32, #tpu.memory_space<hbm>>
      tpu.wait_indirect_dma semaphore(%arg20 : memref<!tpu.dma_semaphore, #tpu.memory_space<semaphore_mem>>) src(%dma_wait3A_43 : memref<512x256xf32, #tpu.memory_space<hbm>>) dst(%arg14 : memref<64x256xf32, #tpu.memory_space<vmem>>)
      "tpu.region"() ({
        %run_scoped3A = tpu.sem_alloc : memref<!tpu.dma_semaphore, #tpu.memory_space<semaphore_mem>>
        %dma_start3A_52 = arith.constant 0 : i32
        %dma_start3A_53 = arith.constant 0 : i32
        %dma_start3A_54 = tpu.memref_slice %arg6[%add3A, %dma_start3A_52, %dma_start3A_53] : memref<16x64x256xf32, #tpu.memory_space<hbm>> -> memref<1x64x256xf32, #tpu.memory_space<hbm>>
        %dma_start3A_55 = tpu.memref_squeeze %dma_start3A_54 : memref<1x64x256xf32, #tpu.memory_space<hbm>> -> memref<64x256xf32, #tpu.memory_space<hbm>>
        %dma_start3A_56 = arith.constant 0 : i32
        %dma_start3A_57 = arith.constant 0 : i32
        %dma_start3A_58 = tpu.memref_slice %arg6[%add3A, %dma_start3A_56, %dma_start3A_57] : memref<16x64x256xf32, #tpu.memory_space<hbm>> -> memref<1x64x256xf32, #tpu.memory_space<hbm>>
        %dma_start3A_59 = tpu.memref_squeeze %dma_start3A_58 : memref<1x64x256xf32, #tpu.memory_space<hbm>> -> memref<64x256xf32, #tpu.memory_space<hbm>>
        tpu.enqueue_dma source(%arg14 : memref<64x256xf32, #tpu.memory_space<vmem>>) target(%dma_start3A_59 : memref<64x256xf32, #tpu.memory_space<hbm>>) target_semaphore(%run_scoped3A : memref<!tpu.dma_semaphore, #tpu.memory_space<semaphore_mem>>)
        %dma_wait3A_60 = arith.constant 0 : i32
        %dma_wait3A_61 = arith.constant 0 : i32
        %dma_wait3A_62 = tpu.memref_slice %arg6[%add3A, %dma_wait3A_60, %dma_wait3A_61] : memref<16x64x256xf32, #tpu.memory_space<hbm>> -> memref<1x64x256xf32, #tpu.memory_space<hbm>>
        %dma_wait3A_63 = tpu.memref_squeeze %dma_wait3A_62 : memref<1x64x256xf32, #tpu.memory_space<hbm>> -> memref<64x256xf32, #tpu.memory_space<hbm>>
        %dma_wait3A_64 = arith.constant 0 : i32
        %dma_wait3A_65 = arith.constant 0 : i32
        %dma_wait3A_66 = tpu.memref_slice %arg6[%add3A, %dma_wait3A_64, %dma_wait3A_65] : memref<16x64x256xf32, #tpu.memory_space<hbm>> -> memref<1x64x256xf32, #tpu.memory_space<hbm>>
        %dma_wait3A_67 = tpu.memref_squeeze %dma_wait3A_66 : memref<1x64x256xf32, #tpu.memory_space<hbm>> -> memref<64x256xf32, #tpu.memory_space<hbm>>
        tpu.wait_dma2 semaphore(%run_scoped3A : memref<!tpu.dma_semaphore, #tpu.memory_space<semaphore_mem>>) src(%arg14 : memref<64x256xf32, #tpu.memory_space<vmem>>) dst(%dma_wait3A_67 : memref<64x256xf32, #tpu.memory_space<hbm>>)
        tpu.yield
      }) : () -> ()
      %broadcast_in_dim3A = arith.constant 0.000000e+00 : f32
      %broadcast_in_dim3A_44 = vector.broadcast %broadcast_in_dim3A : f32 to vector<16xf32>
      %scan3A_45 = arith.constant 0 : i32
      %scan3A_46 = arith.constant 64 : i32
      %scan3A_47 = arith.addi %scan3A_45, %scan3A_46 : i32
      %scan3A_48 = arith.constant 1 : i32
      %scan3A_49 = scf.for %scan3A_52 = %scan3A_45 to %scan3A_47 step %scan3A_48 iter_args(%scan3A_53 = %broadcast_in_dim3A_44) -> (vector<16xf32>)  : i32 {
        %scan3A_54 = arith.constant 0 : i32
        %scan3A_55 = arith.constant 16 : i32
        %scan3A_56 = arith.addi %scan3A_54, %scan3A_55 : i32
        %scan3A_57 = arith.constant 1 : i32
        %scan3A_58 = scf.for %scan3A_60 = %scan3A_54 to %scan3A_56 step %scan3A_57 iter_args(%scan3A_61 = %scan3A_53) -> (vector<16xf32>)  : i32 {
          %mul3A_62 = arith.constant 16 : i32
          %mul3A_63 = arith.muli %scan3A_60, %mul3A_62 : i32
          %add3A_64 = vector.broadcast %mul3A_63 : i32 to vector<16xi32>
          %add3A_65 = arith.addi %iota3A_25, %add3A_64 : vector<16xi32>
          %broadcast_in_dim3A_66 = vector.broadcast %scan3A_52 : i32 to vector<16xi32>
          %gather3A = tpu.vector_load_idx %arg14[%broadcast_in_dim3A_66, %add3A_65] : memref<64x256xf32, #tpu.memory_space<vmem>>[vector<16xi32>, vector<16xi32>], vector<16xf32>,
          %mul3A_67 = arith.constant 256 : i32
          %mul3A_68 = arith.muli %scan3A_52, %mul3A_67 : i32
          %mul3A_69 = arith.constant 16 : i32
          %mul3A_70 = arith.muli %scan3A_60, %mul3A_69 : i32
          %add3A_71 = arith.addi %mul3A_68, %mul3A_70 : i32
          %get3A = arith.index_cast %add3A_71 : i32 to index
          %get3A_72 = tpu.vector_load %arg15[%get3A] {strides = array<i32>} : memref<16384xf32, #tpu.memory_space<vmem>>, vector<16xf32>,
          %sub3A = arith.subf %get3A_72, %gather3A : vector<16xf32>
          %mul3A_73 = arith.mulf %sub3A, %sub3A : vector<16xf32>
          %add3A_74 = arith.addf %scan3A_61, %mul3A_73 : vector<16xf32>
          scf.yield %add3A_74 : vector<16xf32>
        }
        %scan3A_59 = arith.constant 16 : i32
        scf.yield %scan3A_58 : vector<16xf32>
      }
      %scan3A_50 = arith.constant 64 : i32
      %swap3A = arith.constant 0 : index
      %swap3A_51 = tpu.vector_load %arg16[%swap3A] {strides = array<i32>} : memref<16xf32, #tpu.memory_space<vmem>>, vector<16xf32>,
      tpu.vector_store %arg16[%swap3A], %scan3A_49 {strides = array<i32>} : memref<16xf32, #tpu.memory_space<vmem>>, vector<16xf32>,
      "tpu.region"() ({
        %run_scoped3A = tpu.sem_alloc : memref<!tpu.dma_semaphore, #tpu.memory_space<semaphore_mem>>
        %dma_start3A_52 = arith.constant 0 : i32
        %dma_start3A_53 = tpu.memref_slice %arg7[%add3A, %dma_start3A_52] : memref<16x16xf32, #tpu.memory_space<hbm>> -> memref<1x16xf32, #tpu.memory_space<hbm>>
        %dma_start3A_54 = tpu.memref_squeeze %dma_start3A_53 : memref<1x16xf32, #tpu.memory_space<hbm>> -> memref<16xf32, #tpu.memory_space<hbm>>
        %dma_start3A_55 = arith.constant 0 : i32
        %dma_start3A_56 = tpu.memref_slice %arg7[%add3A, %dma_start3A_55] : memref<16x16xf32, #tpu.memory_space<hbm>> -> memref<1x16xf32, #tpu.memory_space<hbm>>
        %dma_start3A_57 = tpu.memref_squeeze %dma_start3A_56 : memref<1x16xf32, #tpu.memory_space<hbm>> -> memref<16xf32, #tpu.memory_space<hbm>>
        tpu.enqueue_dma source(%arg16 : memref<16xf32, #tpu.memory_space<vmem>>) target(%dma_start3A_57 : memref<16xf32, #tpu.memory_space<hbm>>) target_semaphore(%run_scoped3A : memref<!tpu.dma_semaphore, #tpu.memory_space<semaphore_mem>>)
        %dma_wait3A_58 = arith.constant 0 : i32
        %dma_wait3A_59 = tpu.memref_slice %arg7[%add3A, %dma_wait3A_58] : memref<16x16xf32, #tpu.memory_space<hbm>> -> memref<1x16xf32, #tpu.memory_space<hbm>>
        %dma_wait3A_60 = tpu.memref_squeeze %dma_wait3A_59 : memref<1x16xf32, #tpu.memory_space<hbm>> -> memref<16xf32, #tpu.memory_space<hbm>>
        %dma_wait3A_61 = arith.constant 0 : i32
        %dma_wait3A_62 = tpu.memref_slice %arg7[%add3A, %dma_wait3A_61] : memref<16x16xf32, #tpu.memory_space<hbm>> -> memref<1x16xf32, #tpu.memory_space<hbm>>
        %dma_wait3A_63 = tpu.memref_squeeze %dma_wait3A_62 : memref<1x16xf32, #tpu.memory_space<hbm>> -> memref<16xf32, #tpu.memory_space<hbm>>
        tpu.wait_dma2 semaphore(%run_scoped3A : memref<!tpu.dma_semaphore, #tpu.memory_space<semaphore_mem>>) src(%arg16 : memref<16xf32, #tpu.memory_space<vmem>>) dst(%dma_wait3A_63 : memref<16xf32, #tpu.memory_space<hbm>>)
        tpu.yield
      }) : () -> ()
    } else {
    }
    return
  }
}

module attributes {stable_mosaic.version = 14 : i64} {
  func.func @_dist_kernel(%arg0: memref<1024x256xf32, #tpu.memory_space<vmem>>, %arg1: memref<512x256xf32, #tpu.memory_space<vmem>>, %arg2: memref<1024x512xf32, #tpu.memory_space<vmem>>) attributes {dimension_semantics = [], scalar_prefetch = 0 : i64, scratch_operands = 0 : i64, tpu.core_type = #tpu.core_type<tc>} {
    %get3A = arith.constant 0 : index
    %get3A_0 = arith.constant 0 : index
    %get3A_1 = vector.load %arg0[%get3A, %get3A_0] : memref<1024x256xf32, #tpu.memory_space<vmem>>, vector<1024x256xf32>
    %get3A_2 = arith.constant 0 : index
    %get3A_3 = arith.constant 0 : index
    %get3A_4 = vector.load %arg1[%get3A_2, %get3A_3] : memref<512x256xf32, #tpu.memory_space<vmem>>, vector<512x256xf32>
    %mul3A = arith.mulf %get3A_1, %get3A_1 : vector<1024x256xf32>
    %reduce_sum3A = arith.constant dense<0.000000e+00> : vector<1024xf32>
    %reduce_sum3A_5 = vector.multi_reduction <add>, %mul3A, %reduce_sum3A [1] : vector<1024x256xf32> to vector<1024xf32>
    %broadcast_in_dim3A = vector.shape_cast %reduce_sum3A_5 : vector<1024xf32> to vector<1024x1xf32>
    %mul3A_6 = arith.mulf %get3A_4, %get3A_4 : vector<512x256xf32>
    %reduce_sum3A_7 = arith.constant dense<0.000000e+00> : vector<512xf32>
    %reduce_sum3A_8 = vector.multi_reduction <add>, %mul3A_6, %reduce_sum3A_7 [1] : vector<512x256xf32> to vector<512xf32>
    %dot_general3A = arith.constant dense<0.000000e+00> : vector<1024x512xf32>
    %dot_general3A_9 = tpu.matmul %get3A_1, %get3A_4, %dot_general3A {dimension_numbers = #tpu.dot_dimension_numbers<[1], [1], [0], [0], [0, 0, 1, 0], [], []>, transpose_lhs_hint = false} : vector<1024x256xf32>, vector<512x256xf32>, vector<1024x512xf32> -> vector<1024x512xf32>
    %broadcast_in_dim3A_10 = vector.shape_cast %reduce_sum3A_8 : vector<512xf32> to vector<1x512xf32>
    %add3A = vector.broadcast %broadcast_in_dim3A : vector<1024x1xf32> to vector<1024x512xf32>
    %add3A_11 = vector.broadcast %broadcast_in_dim3A_10 : vector<1x512xf32> to vector<1024x512xf32>
    %add3A_12 = arith.addf %add3A, %add3A_11 : vector<1024x512xf32>
    %mul3A_13 = arith.constant 2.000000e+00 : f32
    %mul3A_14 = vector.broadcast %mul3A_13 : f32 to vector<1024x512xf32>
    %mul3A_15 = arith.mulf %mul3A_14, %dot_general3A_9 : vector<1024x512xf32>
    %sub3A = arith.subf %add3A_12, %mul3A_15 : vector<1024x512xf32>
    %sqrt3A = math.sqrt %sub3A : vector<1024x512xf32>
    %swap3A = arith.constant 0 : index
    %swap3A_16 = arith.constant 0 : index
    %swap3A_17 = vector.load %arg2[%swap3A, %swap3A_16] : memref<1024x512xf32, #tpu.memory_space<vmem>>, vector<1024x512xf32>
    tpu.vector_store %arg2[%swap3A, %swap3A_16], %sqrt3A {strides = array<i32>} : memref<1024x512xf32, #tpu.memory_space<vmem>>, vector<1024x512xf32>,
    return
  }
}

</mosaic_0001>

<sc_bundles>
// kernel: kernel.4.cloned.1.call-start
scs
__scs_entry_jumppad:
0x0: {  	(pc) =	sbr.rel $0x88, $3  }
0x1: {  	(tag) =	ssettag $0x0;
	lr =	simm.s32 $0x1  }
0x2: {  	[smem:$0x3F9F] =	sst lr;
	_ =	strace $0xD0000000  }
0x3: {  	_ = 	snop  }
0x4: {  	_ = 	snop  }
0x5: {  	_ = 	snop  }
0x6: {  	_ = 	snop  }
0x7: {  	_ = 	snop  }
__scs_overlays_trampoline_lowered:
0x8: {  	[smem:$0x3FAE] =	sst s0  }
0x9: {  	[smem:$0x3FAF] =	sst s1  }
0xa: {  	[smem:$0x3FB0] =	sst s2  }
0xb: {  	[smem:$0x3FB1] =	sst s3  }
0xc: {  	[smem:$0x3FB2] =	sst s4  }
0xd: {  	[smem:$0x3FB3] =	sst s5  }
0xe: {  	[smem:$0x3FB4] =	sst s6  }
0xf: {  	[smem:$0x3FB5] =	sst s7  }
0x10: {  	[smem:$0x3FB6] =	sst s8  }
0x11: {  	[smem:$0x3FB7] =	sst s9;
	s0 =	simm.s32 @!p0 $0x0  }
0x12: {  	s1 =	sld [smem:$0x3F9D];
	s0 =	simm.s32 @p0 $0x1  }
0x13: {  	[smem:$0x3FB8] =	sst s0;
	s0 =	simm.s32 @!p1 $0x0  }
0x14: {  	s2 =	sld [smem:$0x3F9C];
	s0 =	simm.s32 @p1 $0x1  }
0x15: {  	[smem:$0x3FB9] =	sst s0;
	s0 =	simm.s32 @!p2 $0x0  }
0x16: {  	s3 =	sld [smem:$0x3FDB];
	s0 =	simm.s32 @p2 $0x1  }
0x17: {  	s4 =	simm.s32 $0x1BF5;
	[smem:$0x3FBB] =	sst s0  }
0x18: {  	s0 =	sld [smem:$0x3F9E];
	_ =	swait.ge [sflag:s4], $0x0  }
0x19: {  	s7 =	sld [smem:$0x3F9F]  }
0x1a: {  	s8 =	sadd.s32 $0xFFFFE003, lr  }
0x1b: {  	s9 =	sadd.s32 $0xFFFFFEF7, lr;
	s5 =	simm.s32 $0xFFFFFFFF;
	p2 =	slt.u32 s8, $0xFFFFF086  }
0x1c: {  	p1 =	slt.u32 s9, $0xF7A;
	s5 =	simm.s32 @!p2 $0x0  }
0x1d: {  	s5 =	simm.s32 @p1 $0x1;
	p0 =	seq.s32 s7, s2  }
0x1e: {  	s7 =	smul.u32 @!p0 $0xF7A, s2;
	p2 =	seq.s32 @!p0 s5, $0x0  }
0x1f: {  	s9 =	smul.u32 $0xF7A, s1;
	s8 =	simm.s32 @!p0 $0x1BF5;
	p2 =	por !p2, p0  }
0x20: {  	[sflag:s8] =	ssyncset.s32 @!p0 $0xFFFFF086;
	s6 =	sadd.s32 @!p0 s3, s7;
	s7 =	simm.s32 @!p0 $0x108  }
0x21: {  	s3 =	sadd.s32 s3, s9;
	s6 =	sadd.s32 @!p0 $0x88, s6;
	s7 =	simm.s32 @p2 $0x1082  }
0x22: {  	[simem:s7], [sflag:s8] =	dma.local @!p0 [hbm:s6], $0xF7A  }
0x23: {  	s9 =	sor.u32 $0xD0000000, s2;
	s6 =	simm.s32 $0x108;
	_ =	swait.ge @!p0 [sflag:s8], $0x0  }
0x24: {  	s3 =	sadd.s32 $0x88, s3;
	s6 =	simm.s32 @!p1 $0x1082;
	[sflag:s4] =	ssyncset.s32 $0xFFFFF086  }
0x25: {  	[simem:s6], [sflag:s4] =	dma.local [hbm:s3], $0xF7A  }
0x26: {  	[smem:$0x3F9F] =	sst s1;
	(tag) =	ssettag s2;
	_ =	strace s9  }
0x27: {  	s1 =	sld [smem:$0x3FAF]  }
0x28: {  	s2 =	sld [smem:$0x3FB0]  }
0x29: {  	s4 =	sld [smem:$0x3FB2]  }
0x2a: {  	p0 =	seq.s32 s5, $0x0;
	s5 =	sld [smem:$0x3FB3]  }
0x2b: {  	s6 =	sld [smem:$0x3FB4]  }
0x2c: {  	s7 =	sld [smem:$0x3FB5]  }
0x2d: {  	s3 =	simm.s32 $0x108;
	s8 =	sld [smem:$0x3FB6]  }
0x2e: {  	s3 =	simm.s32 @!p0 $0x1082;
	s9 =	sld [smem:$0x3FB7]  }
0x2f: {  	lr =	sadd.s32 s0, s3;
	s0 =	sld [smem:$0x3FAE]  }
0x30: {  	s3 =	sld [smem:$0x3FB1]  }
0x31: {  	[smem:$0x3FBA] =	sst s10  }
0x32: {  	s10 =	sld [smem:$0x3FB8];
	_ =	sdelay $0x3  }
0x33: {  	p0 =	seq.s32 s10, $0x1;
	s10 =	sld [smem:$0x3FBA];
	_ =	sdelay $0x3  }
0x34: {  	[smem:$0x3FBA] =	sst s10  }
0x35: {  	s10 =	sld [smem:$0x3FB9];
	_ =	sdelay $0x3  }
0x36: {  	p1 =	seq.s32 s10, $0x1;
	s10 =	sld [smem:$0x3FBA];
	_ =	sdelay $0x3  }
0x37: {  	[smem:$0x3FBA] =	sst s10  }
0x38: {  	s10 =	sld [smem:$0x3FBB]  }
0x39: {  	_ = 	snop;
	(pc) =	sbr.ind lr, $3  }
0x3a: {  	_ = 	snop  }
0x3b: {  	_ = 	snop  }
0x3c: {  	p2 =	seq.s32 s10, $0x1;
	s10 =	sld [smem:$0x3FBA]  }
0x3d: {  	_ =	shalt  }
0x3e: {  	_ =	shalt  }
0x3f: {  	_ =	shalt  }
0x40: {  	_ =	shalt  }
0x41: {  	_ =	shalt  }
0x42: {  	_ =	shalt  }
0x43: {  	_ =	shalt  }
0x44: {  	_ =	shalt  }
0x45: {  	_ =	shalt  }
0x46: {  	_ =	shalt  }
0x47: {  	_ =	shalt  }
0x48: {  	_ =	shalt  }
0x49: {  	_ =	shalt  }
0x4a: {  	_ =	shalt  }
0x4b: {  	_ =	shalt  }
0x4c: {  	_ =	shalt  }
0x4d: {  	_ =	shalt  }
0x4e: {  	_ =	shalt  }
0x4f: {  	_ =	shalt  }
0x50: {  	_ =	shalt  }
0x51: {  	_ =	shalt  }
0x52: {  	_ =	shalt  }
0x53: {  	_ =	shalt  }
0x54: {  	_ =	shalt  }
0x55: {  	_ =	shalt  }
0x56: {  	_ =	shalt  }
0x57: {  	_ =	shalt  }
0x58: {  	_ =	shalt  }
0x59: {  	_ =	shalt  }
0x5a: {  	_ =	shalt  }
0x5b: {  	_ =	shalt  }
0x5c: {  	_ =	shalt  }
0x5d: {  	_ =	shalt  }
0x5e: {  	_ =	shalt  }
0x5f: {  	_ =	shalt  }
0x60: {  	_ =	shalt  }
0x61: {  	_ =	shalt  }
0x62: {  	_ =	shalt  }
0x63: {  	_ =	shalt  }
0x64: {  	_ =	shalt  }
0x65: {  	_ =	shalt  }
0x66: {  	_ =	shalt  }
0x67: {  	_ =	shalt  }
0x68: {  	_ =	shalt  }
0x69: {  	_ =	shalt  }
0x6a: {  	_ =	shalt  }
0x6b: {  	_ =	shalt  }
0x6c: {  	_ =	shalt  }
0x6d: {  	_ =	shalt  }
0x6e: {  	_ =	shalt  }
0x6f: {  	_ =	shalt  }
0x70: {  	_ =	shalt  }
0x71: {  	_ =	shalt  }
0x72: {  	_ =	shalt  }
0x73: {  	_ =	shalt  }
0x74: {  	_ =	shalt  }
0x75: {  	_ =	shalt  }
0x76: {  	_ =	shalt  }
0x77: {  	_ =	shalt  }
0x78: {  	_ =	shalt  }
0x79: {  	_ =	shalt  }
0x7a: {  	_ =	shalt  }
0x7b: {  	_ =	shalt  }
0x7c: {  	_ =	shalt  }
0x7d: {  	_ =	shalt  }
0x7e: {  	_ =	shalt  }
0x7f: {  	_ =	shalt  }
0x80: {  	_ =	shalt  }
0x81: {  	_ =	shalt  }
0x82: {  	_ =	shalt  }
0x83: {  	_ =	shalt  }
0x84: {  	_ =	shalt  }
0x85: {  	_ =	shalt  }
0x86: {  	_ =	shalt  }
0x87: {  	_ =	shalt  }
.Lfunc_end0:
.L_simem_size_0:
called_computation_lowered:
.L_overlay_start_0:
0x88: {  	s2 =	sld [smem:$0x3FD9]  }
0x89: {  	s3 =	sld [smem:$0x3FFE];
	_ =	sdelay $0x1  }
0x8a: {  	s1 =	srdreg.scid  }
0x8b: {  	s0 =	sand.u32 $0x1, s1  }
0x8c: {  	s14 =	sshll.u32 s0, $0xA;
	s2 =	sadd.s32 s3, s2  }
0x8d: {  	s2 =	sadd.s32 s2, s14  }
0x8e: {  	[smem:$0x3FC6] =	sst s2  }
0x8f: {  	_ = 	snop  }
0x90: {  	s2 =	sld [smem:$0x3FD0];
	_ =	sdelay $0x2  }
0x91: {  	s4 =	simm.s32 $0xA;
	s5 =	simm.s32 $0x10;
	s15 =	sld [smem:$0x3FC8]  }
0x92: {  	[smem:s5], [sflag:s4] =	dma.local [hbm:s2], $0x1  }
0x93: {  	_ =	swait.eq [sflag:s4], $0x1  }
0x94: {  	[sflag:s4] =	ssyncset.done $0x0  }
0x95: {  	[sflag:s4] =	ssyncadd.s32 $0xFFFFFFFF  }
0x96: {  	s16 =	sld [smem:$0x10];
	(tm) =	ssettm $0x1  }
0x97: {  	s17 =	sld [smem:$0x3FFB];
	_ =	sdelay $0x3  }
0x98: {  	_ =	strace s17  }
0x99: {  	s4 =	sld [smem:$0x3FFC];
	_ =	sdelay $0x3  }
0x9a: {  	_ =	strace s4  }
0x9b: {  	s4 =	sld [smem:$0x3FFD];
	_ =	sdelay $0x3  }
0x9c: {  	_ =	strace s4  }
0x9d: {  	_ =	strace $0x8FFFFFFF  }
0x9e: {  	s18 =	sld [smem:$0x3FDB];
	_ =	sdelay $0x1  }
0x9f: {  	s19 =	simm.s32 $_scs_section_size  }
0xa0: {  	s6 =	simm.s32 $_size__tile_overlayer_lowered;
	s7 =	simm.s32 $_tile_overlayer_lowered  }
0xa1: {  	s22 =	simm.s32 $0x1BFF;
	s21 =	sshll.u32 s7, $0x1;
	s4 =	sadd.s32 s19, s18  }
0xa2: {  	s8 =	simm.s32 $0x0;
	s20 =	sshll.u32 s6, $0x1;
	s6 =	sadd.s32 s21, s4  }
0xa3: {  	[timem:s8], [sflag:s22] =	dma.local [hbm:s6], s20  }
0xa4: {  	_ =	swait.ge [sflag:s22], s20  }
0xa5: {  	s5 =	ssub.s32 $0x0, s20;
	[sflag:s22] =	ssyncset.done $0x0  }
0xa6: {  	[sflag:s22] =	ssyncadd.s32 s5;
	_ =	sdelay $0x1  }
0xa7: {  	s23 =	simm.s32 $0x1B8B  }
0xa8: {  	_ =	swait.ge [sflag:s23], $0x1  }
0xa9: {  	[sflag:s23] =	ssyncset.done $0x0  }
0xaa: {  	s25 =	simm.s32 $0x1B8E;
	s24 =	sld [smem:$0x3FFE];
	[sflag:s23] =	ssyncadd.s32 $0xFFFFFFFF  }
0xab: {  	s26 =	simm.s32 $execute0_lowered;
	[smem:$0x3FD2] =	sst s25  }
0xac: {  	s6 =	sshll.u32 s26, $0x1;
	_ =	strace $0x80000046;
	[dreg:$0x1] =	wrdreg $0xFFFFFFFF  }
0xad: {  	s28 =	simm.s32 $_size_execute0_lowered;
	s4 =	sadd.s32 s4, s6;
	[dreg:$0x0] =	wrdreg $0x0  }
0xae: {  	s6 =	sshll.u32 s28, $0x1;
	[dreg:$0x2] =	wrdreg s4  }
0xaf: {  	[dreg:$0x3] =	wrdreg s6  }
0xb0: {  	[dreg:$0x4] =	wrdreg $0xC0  }
0xb1: {  	_ =	task [dreg:s8], $0x5FFFF  }
0xb2: {  	[dreg:$0x1] =	wrdreg $0xFFFFFFFF  }
0xb3: {  	[dreg:$0x0] =	wrdreg $0x60  }
0xb4: {  	[dreg:$0x2] =	wrdreg s24  }
0xb5: {  	[dreg:$0x3] =	wrdreg s15  }
0xb6: {  	[dreg:$0x4] =	wrdreg s16  }
0xb7: {  	[dreg:$0x5] =	wrdreg $0x9  }
0xb8: {  	_ =	task.clear_ibuf [dreg:s8], $0x6FFFF;
	_ =	strace $0x90000046  }
0xb9: {  	s29 =	simm.s32 $0x9;
	_ =	strace $0x80000048  }
0xba: {  	_ =	swait.ge [sflag:s29], $0x1  }
0xbb: {  	[sflag:s29] =	ssyncadd.s32 $0xFFFFFFFF  }
0xbc: {  	_ =	strace $0x90000048  }
0xbd: {  	_ =	sfence  }
0xbe: {  	s30 =	sld [smem:$0x0];
	_ =	sdelay $0x2  }
0xbf: {  	s31 =	sshll.u32 s1, $0xD;
	s1 =	sshrl.u32 s1, $0x2  }
0xc0: {  	s3 =	sand.u32 $0x4000, s31;
	s1 =	sadd.s32 s1, s30  }
0xc1: {  	s0 =	sor.u32 s3, s0;
	s1 =	sshll.u32 s1, $0x11  }
0xc2: {  	s0 =	sor.u32 s1, s0  }
0xc3: {  	s0 =	sadd.s32 $0x8F2B, s0  }
0xc4: {  	[sflag:s0] =	ssyncadd.remote.s32 $0x1  }
0xc5: {  	_ =	sfence.sel $0xFFFF  }
0xc6: {  	[dreg:$0x0] =	wrdreg $0xFFFFFFFF;
	(pc) =	sbr.abs _section_cstart, $3  }
0xc7: {  	[dreg:$0x1] =	wrdreg $0xFFFFFFFF  }
0xc8: {  	_ =	task.clear_ibuf [dreg:s8], $0x2FFFF;
	_ =	strace $0x9FFFFFFF  }
0xc9: {  	(tm) =	ssettm $0x7FFFFFFF  }
tec
execute0_lowered:
.L_overlay_start_1:
0x0: {  	(tag) =	ssettag $0x1  }
0x1: {  	s4 =	stileid.u32  }
0x2: {  	p0 =	sgt.u32 s4, $0x7  }
.Ltmp0:
0x3: {  	_ = 	snop;
	(pc) =	sbr.rel @p0 .LBB2_35-.Ltmp0, $4  }
0x4: {  	s1 =	rddreg [dreg:$0x0]  }
0x5: {  	s2 =	rddreg [dreg:$0x1];
	s3 =	simm.s32 $0x0  }
0x6: {  	[smem:$0x7FF] =	sst s3  }
0x7: {  	s0 =	rddreg [dreg:$0x2];
	_ =	strace $0x80000047  }
0x8: {  	s4 =	srdreg.scid;
	s5 =	stileid.u32;
	s10 =	sadd.s32 $0x800, s1  }
0x9: {  	s12 =	simm.s32 $0x2;
	s14 =	simm.s32 $0xFFFFFFFF;
	s15 =	simm.s32 $0x8800  }
0xa: {  	s16 =	simm.s32 $0x8880;
	s24 =	simm.s32 $0x1;
	s26 =	simm.s32 $0x0  }
0xb: {  	s6 =	sand.u32 $0x1, s4;
	s28 =	sshll.u32 s5, $0x1;
	s8 =	sshrl.u32 s5, $0x2  }
0xc: {  	s7 =	sor.u32 s6, s28;
	s29 =	sshll.u32 s8, $0x11;
	s5 =	sshll.u32 s8, $0xA  }
0xd: {  	s8 =	sshll.u32 s8, $0x12;
	s11 =	ssub.s32 $0x2, s6;
	s4 =	sshll.u32 s7, $0x7  }
0xe: {  	s7 =	sshll.u32 s7, $0xB;
	s31 =	sshrl.u32 s11, $0x1;
	s9 =	sand.u32 $0x380, s4  }
0xf: {  	s6 =	sadd.s32 s0, s7;
	s0 =	ssub.s32 s11, s31;
	s11 =	simm.s32 $0x400  }
0x10: {  	v0 =	vimm.f32 $0.0e+00;
	s4 =	sor.u32 s29, s9;
	s5 =	sor.u32 s5, s9;
	s8 =	sor.u32 s8, s9  }
0x11: {  	v1 =	vimm.f32 $3.000000010e+38;
	v2 =	vimm.s32 $0x0;
	v3 =	vlaneseq.u32;
	s9 =	smax.u32 s0, $0x1;
	s4 =	sshrl.u32 s4, $0x3;
	s5 =	sshrl.u32 s5, $0x3  }
0x12: {  	v4 =	vimm.s32 $0xFFFFFFFF;
	vm0 =	vmxor vm0, vm0;
	vm1 =	vmmov $0x1;
	s8 =	sshrl.u32 s8, $0x3;
	s4 =	sadd.s32 s4, s1;
	s30 =	sadd.s32 s5, s1  }
0x13: {  	vm2 =	vmmov $0xffff;
	v8 =	vimm.s32 $0x1;
	v6 =	vshrl.u32 v3, $0x3;
	s8 =	sadd.s32 s10, s8;
	s10 =	simm.s32 $0x80;
	s4 =	sadd.s32 $0x10800, s4  }
0x14: {  	v5 =	vand.u32 $0x7, v3;
	v7 =	vor.u32 $0x8, v3;
	v6 =	vmul.u32 $0x8, v6;
	s5 =	sadd.s32 $0x18800, s30;
	s7 =	sadd.s32 $0x18A00, s30;
	[dreg:$0x4] =	wrdreg s4  }
.LBB2_2:
0x15: {  	s0 =	simm.s32 $0x0  }
0x16: {  	[tilespmem:s0], [sflag:$0x2] =	stream.strided.gather [hbm4b:s8+s10], $0x8000, s11, s10, $0x38;
	[tilespmem:$0x10900] =	vst v63  }
0x17: {  	_ =	swait.ge [sflag:s12], $0x8000  }
0x18: {  	[sflag:s12] =	ssyncset.done $0x0  }
0x19: {  	s1 =	simm.s32 $0xC880;
	s31 =	rddreg [dreg:$0x4];
	[sflag:s12] =	ssyncadd.s32 $0xFFFF8000  }
0x1a: {  	[tilespmem:s1], [sflag:$0x2] =	stream.strided.gather [hbm4b:s31+s10], $0x4000, s11, s10, $0x38;
	[tilespmem:$0x10900] =	vst v63  }
0x1b: {  	_ =	swait.ge [sflag:s12], $0x4000  }
0x1c: {  	[sflag:s12] =	ssyncset.done $0x0  }
0x1d: {  	s0 =	simm.s32 $0x4;
	s1 =	simm.s32 $0x0;
	[sflag:s12] =	ssyncadd.s32 $0xFFFFC000  }
.LBB2_3:
0x1e: {  	p0 =	sne.s32 s0, $0x7FC  }
0x1f: {  	[smem:s1] =	sst s14;
	s1 =	smov.u32 s0;
	s0 =	sadd.s32 $0x4, s0  }
.Ltmp1:
0x20: {  	(pc) =	sbr.rel @p0 .LBB2_3-.Ltmp1, $2  }
0x21: {  	_ =	sdelay $0x2  }
0x22: {  	s1 =	sshra.s32 s1, $0x2  }
0x23: {  	[smem:s1] =	sst s14;
	s1 =	simm.s32 $0x4;
	s0 =	simm.s32 $0x0  }
.LBB2_5:
0x24: {  	p0 =	sne.s32 s1, $0xFC  }
0x25: {  	[smem:s0+$0x200] =	sst s3;
	s0 =	smov.u32 s1;
	s1 =	sadd.s32 $0x4, s1  }
.Ltmp2:
0x26: {  	(pc) =	sbr.rel @p0 .LBB2_5-.Ltmp2, $2  }
0x27: {  	_ =	sdelay $0x2  }
0x28: {  	s0 =	sshra.s32 s0, $0x2  }
0x29: {  	[tilespmem:$0x8000] =	vst v0  }
0x2a: {  	[tilespmem:$0x8010] =	vst v0  }
0x2b: {  	[tilespmem:$0x8020] =	vst v0  }
0x2c: {  	[tilespmem:$0x8030] =	vst v0  }
0x2d: {  	[tilespmem:$0x8040] =	vst v0  }
0x2e: {  	[tilespmem:$0x8050] =	vst v0  }
0x2f: {  	[tilespmem:$0x8060] =	vst v0  }
0x30: {  	[tilespmem:$0x8070] =	vst v0  }
0x31: {  	[tilespmem:$0x8080] =	vst v0  }
0x32: {  	[tilespmem:$0x8090] =	vst v0  }
0x33: {  	[tilespmem:$0x80A0] =	vst v0  }
0x34: {  	[tilespmem:$0x80B0] =	vst v0  }
0x35: {  	[tilespmem:$0x80C0] =	vst v0  }
0x36: {  	[tilespmem:$0x80D0] =	vst v0  }
0x37: {  	[tilespmem:$0x80E0] =	vst v0  }
0x38: {  	[tilespmem:$0x80F0] =	vst v0  }
0x39: {  	[tilespmem:$0x8100] =	vst v0  }
0x3a: {  	[tilespmem:$0x8110] =	vst v0  }
0x3b: {  	[tilespmem:$0x8120] =	vst v0  }
0x3c: {  	[tilespmem:$0x8130] =	vst v0  }
0x3d: {  	[tilespmem:$0x8140] =	vst v0  }
0x3e: {  	[tilespmem:$0x8150] =	vst v0  }
0x3f: {  	[tilespmem:$0x8160] =	vst v0  }
0x40: {  	[tilespmem:$0x8170] =	vst v0  }
0x41: {  	[tilespmem:$0x8180] =	vst v0  }
0x42: {  	[tilespmem:$0x8190] =	vst v0  }
0x43: {  	[tilespmem:$0x81A0] =	vst v0  }
0x44: {  	[tilespmem:$0x81B0] =	vst v0  }
0x45: {  	[tilespmem:$0x81C0] =	vst v0  }
0x46: {  	[tilespmem:$0x81D0] =	vst v0  }
0x47: {  	[tilespmem:$0x81E0] =	vst v0  }
0x48: {  	[smem:s0+$0x200] =	sst s3;
	[tilespmem:$0x81F0] =	vst v0;
	s28 =	simm.s32 $0x0;
	s29 =	simm.s32 $0x2  }
.LBB2_7:
0x49: {  	s0 =	simm.s32 $0x0  }
.LBB2_8:
0x4a: {  	p0 =	sne.s32 s0, $0x7C0  }
.Ltmp3:
0x4b: {  	_ = 	snop;
	(pc) =	sbr.rel @p0 .LBB2_8-.Ltmp3, $4  }
0x4c: {  	s1 =	sshra.s32 s0, $0x2  }
0x4d: {  	[tilespmem:s1+$0x8200] =	vst v1  }
0x4e: {  	[tilespmem:s1+$0x8600] =	vst v2  }
0x4f: {  	s0 =	sadd.s32 $0x40, s0;
	[tilespmem:s1+$0x8400] =	vst v4  }
.Ltmp4:
0x50: {  	(pc) =	sbr.rel .LBB2_10-.Ltmp4, $3  }
0x51: {  	_ =	sdelay $0x1  }
0x52: {  	s1 =	simm.s32 $0x0;
	p1 =	por $0x0, $0x0  }
0x53: {  	s0 =	simm.s32 $0xFFFFFFFF;
	s31 =	smov.u32 s28;
	s30 =	simm.s32 $0x0  }
.LBB2_19:
0x54: {  	v12 =	vld [tilespmem:s13+$0x8200];
	_ =	sdelay $0x2  }
0x55: {  	s4 =	sld [smem:s0+$0x0]  }
0x56: {  	v13 =	vsub.f32 v9, v10  }
0x57: {  	vm3 =	veq.s32 v11, $0x0;
	v10 =	vsub.f32 v12, v10  }
0x58: {  	v9 =	vsel vm3, v9, v13;
	p0 =	slt.s32 s4, $0x0  }
0x59: {  	[tilespmem:s13+$0x8000] =	vst v9;
	s4 =	smov.u32 @p0 s31;
	v9 =	vsel vm3, v10, v12  }
0x5a: {  	s31 =	smov.u32 s4;
	[tilespmem:s13+$0x8200] =	vst v9  }
.LBB2_20:
0x5b: {  	s30 =	sadd.s32 $0x1, s30  }
0x5c: {  	p2 =	sne.s32 s30, s29  }
.Ltmp5:
0x5d: {  	_ = 	snop;
	(pc) =	sbr.rel @!p2 .LBB2_21-.Ltmp5, $2  }
0x5e: {  	_ =	sdelay $0x2  }
0x5f: {  	p1 =	por p0, p0  }
.LBB2_10:
.Ltmp6:
0x60: {  	(pc) =	sbr.rel @p1 .LBB2_20-.Ltmp6, $2  }
0x61: {  	_ =	sdelay $0x2  }
0x62: {  	p0 =	por $0x1, $0x1  }
0x63: {  	p0 =	sgt.s32 s0, $0x0;
	s13 =	smov.u32 s0  }
0x64: {  	vm3 =	vmmov vm0;
	s13 =	simm.s32 @!p0 $0x0;
	p0 =	sgt.s32 s0, $0xFFFFFFFF  }
0x65: {  	v9 =	vmov s13;
	vm3 =	vmneg @p0 vm3  }
0x66: {  	vm3 =	vmand vm3, vm1;
	v9 =	vbroadcast v9, $0x0;
	_ =	sdelay $0x2  }
0x67: {  	s22 =	sshll.u32 s31, $0xB;
	s17 =	simm.s32 $0x0  }
0x68: {  	s18 =	sand.u32 $0x180, s17;
	s13 =	sshra.s32 s22, $0x2  }
0x69: {  	s19 =	simm.s32 $0x8600;
	s20 =	sand.u32 $0x70, s17;
	s18 =	sadd.s32 s18, s13  }
0x6a: {  	s18 =	sadd.s32 s20, s18;
	[tilespmem:v9+s19+$0x0] =	vst.idx.msk vm3, v8  }
0x6b: {  	[smem:s1+$0x280] =	sst s31;
	v9 =	vld [tilespmem:s18+$0x0]  }
0x6c: {  	s23 =	sld [smem:s31+$0x200];
	s18 =	simm.s32 $0x8000  }
0x6d: {  	s21 =	simm.s32 $0x8200;
	v11 =	vld [tilespmem:s18+$0x0]  }
0x6e: {  	v12 =	vld [tilespmem:s21+$0x0]  }
0x6f: {  	v10 =	vmov s23;
	v13 =	vld [tilespmem:s19+$0x0]  }
0x70: {  	v9 =	vsub.f32 v9, v10;
	_ =	sdelay $0x1  }
0x71: {  	v9 =	vsub.f32 v9, v11;
	_ =	sdelay $0x1  }
0x72: {  	vm3 =	veq.s32 v13, $0x0;
	vm4 =	vlt.f32 v9, v12  }
0x73: {  	vm4 =	vmand vm3, vm4  }
0x74: {  	v11 =	vsel vm4, v9, v12  }
0x75: {  	s20 =	simm.s32 $0x8400;
	[tilespmem:s21+$0x0] =	vst v11  }
0x76: {  	v13 =	vld [tilespmem:s20+$0x0];
	_ =	sdelay $0x2  }
0x77: {  	v15 =	vor.u32 s17, v3;
	s17 =	simm.s32 $0x8210;
	s19 =	simm.s32 $0x10;
	v12 =	vimm.f32 $3.000000010e+38;
	v11 =	vnsel vm3, $0x7F61B1E6, v11  }
0x78: {  	v14 =	vimm.s32 $0x0;
	s22 =	simm.s32 $0x20;
	s25 =	sand.u32 $0x180, s19;
	s23 =	sand.u32 $0x70, s19;
	v9 =	vmov s0;
	vm3 =	vlt.f32 v11, v12  }
0x79: {  	s25 =	sadd.s32 s25, s13;
	s0 =	simm.s32 $0x8410;
	s21 =	simm.s32 $0x8610;
	v12 =	vsel vm3, v11, v12;
	v11 =	vsel vm3, v15, v14;
	v13 =	vsel vm4, v9, v13  }
.LBB2_12:
0x7a: {  	s23 =	sadd.s32 s23, s25;
	s18 =	sadd.s32 $0x10, s18  }
0x7b: {  	[tilespmem:s20+$0x0] =	vst v13;
	s25 =	smov.u32 s22;
	s4 =	sadd.s32 $0x10, s22;
	s20 =	smov.u32 s0  }
0x7c: {  	p0 =	sne.s32 s22, $0x1F0;
	v13 =	vld [tilespmem:s23+$0x0];
	_ =	sdelay $0x1  }
0x7d: {  	v14 =	vld [tilespmem:s18+$0x0]  }
0x7e: {  	v15 =	vld [tilespmem:s17+$0x0]  }
0x7f: {  	v16 =	vld [tilespmem:s21+$0x0]  }
0x80: {  	v13 =	vsub.f32 v13, v10;
	_ =	sdelay $0x1  }
0x81: {  	v13 =	vsub.f32 v13, v14;
	_ =	sdelay $0x1  }
0x82: {  	vm3 =	veq.s32 v16, $0x0;
	vm4 =	vlt.f32 v13, v15  }
0x83: {  	vm4 =	vmand vm3, vm4  }
0x84: {  	v13 =	vsel vm4, v13, v15  }
0x85: {  	[tilespmem:s17+$0x0] =	vst v13;
	v13 =	vnsel vm3, $0x7F61B1E6, v13  }
0x86: {  	v15 =	vor.u32 s19, v3;
	s19 =	smov.u32 s25;
	v14 =	vld [tilespmem:s0+$0x0];
	vm3 =	vlt.f32 v13, v12  }
.Ltmp7:
0x87: {  	v12 =	vsel vm3, v13, v12;
	v11 =	vsel vm3, v15, v11;
	(pc) =	sbr.rel @p0 .LBB2_12-.Ltmp7, $4  }
0x88: {  	_ = 	snop  }
0x89: {  	s21 =	sadd.s32 $0x10, s21  }
0x8a: {  	s22 =	sand.u32 $0x180, s19;
	s17 =	sadd.s32 $0x10, s17;
	s0 =	sadd.s32 $0x10, s0  }
0x8b: {  	s23 =	sand.u32 $0x70, s19;
	s25 =	sadd.s32 s22, s13;
	s22 =	smov.u32 s4;
	v13 =	vsel vm4, v9, v14  }
0x8c: {  	s4 =	sadd.s32 s23, s25;
	[tilespmem:s20+$0x0] =	vst v13  }
0x8d: {  	v13 =	vld [tilespmem:s4+$0x0]  }
0x8e: {  	s25 =	sadd.s32 $0x10, s18  }
0x8f: {  	v14 =	vld [tilespmem:s25+$0x0]  }
0x90: {  	v15 =	vld [tilespmem:s17+$0x0]  }
0x91: {  	v16 =	vld [tilespmem:s21+$0x0]  }
0x92: {  	v10 =	vsub.f32 v13, v10;
	_ =	sdelay $0x1  }
0x93: {  	v10 =	vsub.f32 v10, v14;
	_ =	sdelay $0x1  }
0x94: {  	vm3 =	veq.s32 v16, $0x0;
	vm4 =	vlt.f32 v10, v15  }
0x95: {  	vm4 =	vmand vm3, vm4  }
0x96: {  	v61 =	vsel vm4, v10, v15  }
0x97: {  	v10 =	vnsel vm3, $0x7F61B1E6, v61  }
0x98: {  	vm3 =	vlt.f32 v10, v12  }
0x99: {  	v12 =	vsel vm3, v10, v12  }
0x9a: {  	(xrf0) =	vmin.scan.msk.f32 $0xffff, v12;
	_ =	sdelay $0x5  }
0x9b: {  	v62, _, _ =	vpop (xrf0)  }
0x9c: {  	v63 =	vor.u32 s19, v3;
	v10 =	vbroadcast v62, $0xF  }
0x9d: {  	v11 =	vsel vm3, v63, v11  }
0x9e: {  	v11 =	vxor.u32 $0x80000000, v11;
	vm3 =	veq.f32 v12, v10  }
0x9f: {  	v11 =	vnsel vm3, $0xC0000000, v11  }
0xa0: {  	(xrf0) =	vmin.scan.msk.u32 $0xffff, v11;
	_ =	sdelay $0x5  }
0xa1: {  	(v2sf) =	vpush v62, $0xF;
	v11, _, _ =	vpop (xrf0)  }
0xa2: {  	(v2sf) =	vpush v11, $0xF;
	_ =	sdelay $0x7  }
0xa3: {  	[tilespmem:s17+$0x0] =	vst v61  }
0xa4: {  	v11 =	vld [tilespmem:s0+$0x0]  }
0xa5: {  	p0 =	sgt.u32 s1, $0x7FFFFFFE  }
.Ltmp8:
0xa6: {  	_ = 	snop;
	(pc) =	sbr.rel @p0 .LBB2_17-.Ltmp8, $3  }
0xa7: {  	_ =	sdelay $0x1  }
0xa8: {  	s13 =	spop (v2sf);
	v9 =	vsel vm4, v9, v11  }
0xa9: {  	s1 =	sadd.s32 $0x1, s1;
	s17 =	simm.s32 $0x280;
	[tilespmem:s0+$0x0] =	vst v9;
	s0 =	spop (v2sf)  }
0xaa: {  	p0 =	sne.s32 s1, $0x1  }
.Ltmp9:
0xab: {  	_ = 	snop;
	(pc) =	sbr.rel @!p0 .LBB2_16-.Ltmp9, $2  }
0xac: {  	_ =	sdelay $0x2  }
0xad: {  	s19 =	sld [smem:s17+$0x0];
	s18 =	sadd.s32 $0xFFFFFFFF, s1  }
.LBB2_15:
0xae: {  	p0 =	sne.s32 s18, $0x1;
	_ =	sdelay $0x1  }
0xaf: {  	s4 =	sld [smem:s19+$0x200];
	_ =	sdelay $0x1  }
.Ltmp10:
0xb0: {  	(pc) =	sbr.rel @p0 .LBB2_15-.Ltmp10, $4  }
0xb1: {  	s4 =	sadd.f32 s4, s13  }
0xb2: {  	s19 =	sadd.s32 $0x200, s19  }
0xb3: {  	s17 =	sadd.s32 $0x1, s17;
	[smem:s19] =	sst s4  }
0xb4: {  	s18 =	sadd.s32 $0xFFFFFFFF, s18;
	s19 =	sld [smem:s17+$0x0]  }
.LBB2_16:
0xb5: {  	_ =	sdelay $0x1  }
0xb6: {  	s4 =	sld [smem:s19+$0x200];
	_ =	sdelay $0x2  }
0xb7: {  	s4 =	sadd.f32 s4, s13  }
0xb8: {  	s25 =	sadd.s32 $0x200, s19  }
0xb9: {  	[smem:s25] =	sst s4  }
.LBB2_17:
0xba: {  	s13 =	simm.s32 $0x0  }
0xbb: {  	v11 =	vld [tilespmem:s13+$0x8600]  }
0xbc: {  	s0 =	sxor.u32 $0x80000000, s0;
	s17 =	simm.s32 $0x40;
	v9 =	vld [tilespmem:s13+$0x8000]  }
.LBB2_18:
0xbd: {  	p0 =	sne.s32 s17, $0x7C0;
	v12 =	vld [tilespmem:s13+$0x8200];
	_ =	sdelay $0x3  }
.Ltmp11:
0xbe: {  	v13 =	vsub.f32 v9, v10;
	(pc) =	sbr.rel @p0 .LBB2_18-.Ltmp11, $4  }
0xbf: {  	vm3 =	veq.s32 v11, $0x0;
	v14 =	vsub.f32 v12, v10  }
0xc0: {  	s4 =	sshra.s32 s17, $0x2;
	v9 =	vsel vm3, v9, v13  }
0xc1: {  	v11 =	vld [tilespmem:s4+$0x8600];
	[tilespmem:s13+$0x8000] =	vst v9;
	v12 =	vsel vm3, v14, v12  }
0xc2: {  	s17 =	sadd.s32 $0x40, s17;
	v9 =	vld [tilespmem:s4+$0x8000];
	[tilespmem:s13+$0x8200] =	vst v12;
	s13 =	smov.u32 s4  }
.Ltmp12:
0xc3: {  	_ = 	snop;
	(pc) =	sbr.rel .LBB2_19-.Ltmp12, $1  }
0xc4: {  	_ =	sdelay $0x3  }
.LBB2_21:
0xc5: {  	s1 =	sadd.s32 $0xFFFFFFFF, s29  }
0xc6: {  	p0 =	sne.s32 s1, $0x0  }
.Ltmp13:
0xc7: {  	_ = 	snop;
	(pc) =	sbr.rel @!p0 .LBB2_22-.Ltmp13, $4  }
0xc8: {  	p1 =	slt.s32 s0, $0x0  }
0xc9: {  	v9 =	vmov @!p1 s0  }
0xca: {  	v9 =	vand.u32 @!p1 $0x7FFFFFFF, v9  }
0xcb: {  	p2 =	por $0x0, $0x0;
	v9 =	vbroadcast @!p1 v9, $0x0  }
0xcc: {  	_ =	sdelay $0x2  }
0xcd: {  	p0 =	por p1, p1  }
0xce: {  	s4 =	simm.s32 @!p0 $0x8400  }
0xcf: {  	v9 =	vld.idx.msk @!p0 [tilespmem:v9+s4+$0x0], $0xffff;
	_ =	sdelay $0x4  }
0xd0: {  	v9 =	vxor.u32 @!p0 $0x80000000, v9  }
0xd1: {  	(xrf0) =	vmin.scan.msk.u32 @!p0 $0xffff, v9;
	_ =	sdelay $0x5  }
0xd2: {  	v9, _, _ =	vpop @!p1 (xrf0)  }
0xd3: {  	(v2sf) =	vpush @!p0 v9, $0xF;
	_ =	sdelay $0xe  }
0xd4: {  	s4 =	spop @!p1 (v2sf)  }
0xd5: {  	s13 =	sxor.u32 @!p0 $0x80000000, s4  }
0xd6: {  	s1 =	sadd.s32 $0xFFFFFFFF, s1;
	p1 =	sgt.s32 @!p0 s13, $0x0;
	s17 =	smov.u32 s13  }
0xd7: {  	p3 =	sne.s32 s1, $0x0;
	p1 =	por !p1, p0;
	s17 =	smov.u32 @p0 s0  }
.Ltmp14:
0xd8: {  	s13 =	simm.s32 @p1 $0x0;
	p1 =	slt.s32 s17, $0x0;
	(pc) =	sbr.rel @!p3 .LBB2_24-.Ltmp14, $4  }
0xd9: {  	s13 =	sld @!p0 [smem:s13+$0x0];
	v9 =	vmov @!p1 s17  }
0xda: {  	p2 =	slt.s32 @!p0 s4, $0x0;
	v9 =	vand.u32 @!p1 $0x7FFFFFFF, v9  }
0xdb: {  	p2 =	por !p2, p0;
	v9 =	vbroadcast @!p1 v9, $0x0  }
0xdc: {  	s13 =	smov.u32 @p2 s28;
	p2 =	por $0x1, $0x1  }
.LBB2_25:
0xdd: {  	s4 =	smov.u32 s17  }
0xde: {  	s1 =	sadd.s32 $0xFFFFFFFF, s1;
	[smem:s0] =	sst @!p0 s13;
	s0 =	smov.u32 s17  }
0xdf: {  	p3 =	sne.s32 s1, $0x0;
	p0 =	por p1, p1  }
0xe0: {  	s13 =	simm.s32 @!p0 $0x8400  }
0xe1: {  	v9 =	vld.idx.msk @!p0 [tilespmem:v9+s13+$0x0], $0xffff;
	_ =	sdelay $0x5  }
0xe2: {  	v9 =	vxor.u32 @!p0 $0x80000000, v9  }
0xe3: {  	(xrf0) =	vmin.scan.msk.u32 @!p0 $0xffff, v9;
	_ =	sdelay $0x5  }
0xe4: {  	v9, _, _ =	vpop @!p1 (xrf0)  }
0xe5: {  	(v2sf) =	vpush @!p0 v9, $0xF;
	_ =	sdelay $0xe  }
0xe6: {  	s13 =	spop @!p1 (v2sf)  }
0xe7: {  	s18 =	sxor.u32 @!p0 $0x80000000, s13  }
0xe8: {  	p1 =	slt.s32 @!p0 s13, $0x0;
	s17 =	smov.u32 s18  }
0xe9: {  	p5 =	sgt.s32 @!p0 s18, $0x0;
	p4 =	por !p1, p0;
	s17 =	smov.u32 @p0 s4  }
0xea: {  	p5 =	por !p5, p0;
	p1 =	slt.s32 s17, $0x0  }
.Ltmp15:
0xeb: {  	s18 =	simm.s32 @p5 $0x0;
	v9 =	vmov @!p1 s17;
	(pc) =	sbr.rel @p3 .LBB2_25-.Ltmp15, $3  }
0xec: {  	v9 =	vand.u32 @!p1 $0x7FFFFFFF, v9;
	s13 =	sld @!p0 [smem:s18+$0x0]  }
0xed: {  	v9 =	vbroadcast @!p1 v9, $0x0;
	_ =	sdelay $0x1  }
0xee: {  	s13 =	smov.u32 @p4 s28  }
0xef: {  	s1 =	smov.u32 s0;
	s0 =	smov.u32 s17  }
.LBB2_27:
0xf0: {  	_ =	sdelay $0x1  }
0xf1: {  	p3 =	por p1, p1  }
0xf2: {  	s4 =	simm.s32 @!p3 $0x8400  }
0xf3: {  	v9 =	vld.idx.msk @!p3 [tilespmem:v9+s4+$0x0], $0xffff;
	_ =	sdelay $0x4  }
0xf4: {  	v9 =	vxor.u32 @!p3 $0x80000000, v9  }
0xf5: {  	(xrf0) =	vmin.scan.msk.u32 @!p3 $0xffff, v9;
	_ =	sdelay $0x5  }
0xf6: {  	v9, _, _ =	vpop @!p1 (xrf0)  }
0xf7: {  	(v2sf) =	vpush @!p3 v9, $0xF;
	_ =	sdelay $0xe  }
0xf8: {  	s4 =	spop @!p1 (v2sf)  }
0xf9: {  	s17 =	sxor.u32 @!p3 $0x80000000, s4  }
0xfa: {  	p1 =	sgt.s32 @!p3 s17, $0x0  }
0xfb: {  	p0 =	por p0, !p2;
	p1 =	por !p1, p3  }
0xfc: {  	[smem:s1] =	sst @!p0 s13;
	s17 =	simm.s32 @p1 $0x0  }
0xfd: {  	s1 =	sld @!p3 [smem:s17+$0x0]  }
0xfe: {  	p0 =	slt.s32 @!p3 s4, $0x0  }
0xff: {  	p0 =	por !p0, p3  }
0x100: {  	s1 =	smov.u32 @p0 s28;
	s28 =	sadd.s32 $0x1, s28  }
0x101: {  	p0 =	sne.s32 s28, $0x40  }
.Ltmp16:
0x102: {  	_ = 	snop;
	(pc) =	sbr.rel @p0 .LBB2_7-.Ltmp16, $4  }
.Ltmp17:
0x103: {  	_ = 	snop;
	(pc) =	sbr.rel @!p0 .LBB2_28-.Ltmp17, $4  }
0x104: {  	_ = 	snop  }
0x105: {  	_ = 	snop  }
0x106: {  	s29 =	sadd.s32 $0x1, s29;
	[smem:s0] =	sst @!p3 s1  }
0x107: {  	_ = 	snop  }
.LBB2_22:
.Ltmp18:
0x108: {  	(pc) =	sbr.rel .LBB2_27-.Ltmp18, $2  }
0x109: {  	_ =	sdelay $0x2  }
0x10a: {  	_ = 	snop  }
.LBB2_24:
.Ltmp19:
0x10b: {  	(pc) =	sbr.rel .LBB2_27-.Ltmp19, $2  }
0x10c: {  	_ =	sdelay $0x2  }
0x10d: {  	s1 =	smov.u32 s0;
	s0 =	smov.u32 s17  }
.LBB2_28:
0x10e: {  	s0 =	sld [smem:$0x0];
	_ =	sdelay $0x2  }
0x10f: {  	p0 =	sgt.s32 s0, $0x0  }
0x110: {  	vm3 =	vmmov vm0;
	p1 =	sgt.s32 s0, $0xFFFFFFFF;
	s0 =	simm.s32 @!p0 $0x0  }
0x111: {  	s4 =	sld [smem:$0x1];
	vm3 =	vmneg @p1 vm3;
	v9 =	vmov s0  }
0x112: {  	vm3 =	vmand vm3, vm1;
	v9 =	vbroadcast v9, $0x0;
	_ =	sdelay $0x1  }
0x113: {  	p0 =	sgt.s32 s4, $0x0  }
0x114: {  	s17 =	simm.s32 $0x0;
	vm4 =	vmmov vm0;
	p1 =	sgt.s32 s4, $0xFFFFFFFF;
	s4 =	simm.s32 @!p0 $0x0  }
0x115: {  	s1 =	simm.s32 $0x2;
	s13 =	simm.s32 $0x2;
	v11 =	vmov s17;
	s0 =	simm.s32 $0x1;
	vm4 =	vmneg @p1 vm4;
	v10 =	vmov s4  }
.LBB2_29:
0x116: {  	s4 =	sld [smem:s13+$0x0]  }
0x117: {  	p0 =	sne.s32 s1, $0x1FF;
	[tilespmem:v9+s15+$0x0] =	vst.idx.msk vm3, v11;
	v9 =	vbroadcast v10, $0x0;
	vm3 =	vmand vm4, vm1;
	s17 =	smov.u32 s1;
	s1 =	sadd.s32 $0x1, s1  }
.Ltmp20:
0x118: {  	(pc) =	sbr.rel @p0 .LBB2_29-.Ltmp20, $4  }
0x119: {  	_ = 	snop  }
0x11a: {  	p1 =	sgt.s32 s4, $0x0  }
0x11b: {  	vm4 =	vmmov vm0;
	p2 =	sgt.s32 s4, $0xFFFFFFFF;
	s4 =	simm.s32 @!p1 $0x0  }
0x11c: {  	s13 =	sadd.s32 $0x1, s13;
	v11 =	vmov s0;
	s0 =	smov.u32 s17;
	vm4 =	vmneg @p2 vm4;
	v10 =	vmov s4  }
0x11d: {  	vm4 =	vmand vm4, vm1;
	v10 =	vbroadcast v10, $0x0;
	_ =	sdelay $0x4  }
0x11e: {  	[tilespmem:v9+s15+$0x0] =	vst.idx.msk vm3, v11;
	v9 =	vmov s0  }
0x11f: {  	s0 =	simm.s32 $0x0;
	[tilespmem:v10+s15+$0x0] =	vst.idx.msk vm4, v9  }
0x120: {  	[hbm4b:s5+s0] =	stream.linear.scatter [tilespmem:s15], [sflag:$0x2], $0x80, $0x38;
	[tilespmem:$0x10900] =	vst v63  }
0x121: {  	_ =	swait.ge [sflag:s12], $0x80  }
0x122: {  	[sflag:s12] =	ssyncset.done $0x0  }
0x123: {  	[sflag:s12] =	ssyncadd.s32 $0xFFFFFF80  }
0x124: {  	v9 =	vld [tilespmem:$0x8800];
	_ =	sdelay $0x4  }
0x125: {  	v10 =	vshll.u32 v9, $0x1  }
0x126: {  	v9 =	vand.u32 $0x7, v9;
	v10 =	vand.u32 $0xFFFFFFF0, v10  }
0x127: {  	v9 =	vor.u32 v9, v10  }
0x128: {  	v10 =	vperm.xlane v9, v5;
	_ =	sdelay $0x1  }
0x129: {  	v9 =	vperm.xlane v9, v7;
	v10 =	vadd.s32 v6, v10;
	_ =	sdelay $0x1  }
0x12a: {  	v9 =	vadd.s32 v6, v9;
	_ =	sdelay $0x2  }
0x12b: {  	[tilespmem:s16], [sflag:$0x1] =	stream.indirect_vreg.gather [hbm4b:s2+s0], $0x80, v10, vm2, $0xb8;
	[tilespmem:$0x10900] =	vst v63  }
0x12c: {  	s1 =	simm.s32 $0x9080  }
0x12d: {  	[tilespmem:s1], [sflag:$0x1] =	stream.indirect_vreg.gather [hbm4b:s2+s0], $0x80, v9, vm2, $0xb8;
	[tilespmem:$0x10900] =	vst v63  }
0x12e: {  	v9 =	vld [tilespmem:$0x8810];
	_ =	sdelay $0x4  }
0x12f: {  	v10 =	vshll.u32 v9, $0x1  }
0x130: {  	v9 =	vand.u32 $0x7, v9;
	v10 =	vand.u32 $0xFFFFFFF0, v10  }
0x131: {  	v9 =	vor.u32 v9, v10  }
0x132: {  	v10 =	vperm.xlane v9, v5;
	_ =	sdelay $0x1  }
0x133: {  	v9 =	vperm.xlane v9, v7;
	v10 =	vadd.s32 v6, v10;
	_ =	sdelay $0x1  }
0x134: {  	v9 =	vadd.s32 v6, v9;
	_ =	sdelay $0x1  }
0x135: {  	s23 =	simm.s32 $0x9880  }
0x136: {  	[tilespmem:s23], [sflag:$0x1] =	stream.indirect_vreg.gather [hbm4b:s2+s0], $0x80, v10, vm2, $0xb8;
	[tilespmem:$0x10900] =	vst v63  }
0x137: {  	s25 =	simm.s32 $0xA080  }
0x138: {  	[tilespmem:s25], [sflag:$0x1] =	stream.indirect_vreg.gather [hbm4b:s2+s0], $0x80, v9, vm2, $0xb8;
	[tilespmem:$0x10900] =	vst v63  }
0x139: {  	v9 =	vld [tilespmem:$0x8820];
	_ =	sdelay $0x4  }
0x13a: {  	v10 =	vshll.u32 v9, $0x1  }
0x13b: {  	v9 =	vand.u32 $0x7, v9;
	v10 =	vand.u32 $0xFFFFFFF0, v10  }
0x13c: {  	v9 =	vor.u32 v9, v10  }
0x13d: {  	v10 =	vperm.xlane v9, v5;
	_ =	sdelay $0x1  }
0x13e: {  	v9 =	vperm.xlane v9, v7;
	v10 =	vadd.s32 v6, v10;
	_ =	sdelay $0x1  }
0x13f: {  	v9 =	vadd.s32 v6, v9;
	_ =	sdelay $0x1  }
0x140: {  	s28 =	simm.s32 $0xA880  }
0x141: {  	[tilespmem:s28], [sflag:$0x1] =	stream.indirect_vreg.gather [hbm4b:s2+s0], $0x80, v10, vm2, $0xb8;
	[tilespmem:$0x10900] =	vst v63  }
0x142: {  	s29 =	simm.s32 $0xB080  }
0x143: {  	[tilespmem:s29], [sflag:$0x1] =	stream.indirect_vreg.gather [hbm4b:s2+s0], $0x80, v9, vm2, $0xb8;
	[tilespmem:$0x10900] =	vst v63  }
0x144: {  	v9 =	vld [tilespmem:$0x8830];
	_ =	sdelay $0x4  }
0x145: {  	v10 =	vshll.u32 v9, $0x1  }
0x146: {  	v9 =	vand.u32 $0x7, v9;
	v10 =	vand.u32 $0xFFFFFFF0, v10  }
0x147: {  	v9 =	vor.u32 v9, v10  }
0x148: {  	v10 =	vperm.xlane v9, v5;
	_ =	sdelay $0x1  }
0x149: {  	v9 =	vperm.xlane v9, v7;
	v10 =	vadd.s32 v6, v10;
	_ =	sdelay $0x1  }
0x14a: {  	v9 =	vadd.s32 v6, v9;
	_ =	sdelay $0x1  }
0x14b: {  	s30 =	simm.s32 $0xB880  }
0x14c: {  	[tilespmem:s30], [sflag:$0x1] =	stream.indirect_vreg.gather [hbm4b:s2+s0], $0x80, v10, vm2, $0xb8;
	[tilespmem:$0x10900] =	vst v63  }
0x14d: {  	s31 =	simm.s32 $0xC080  }
0x14e: {  	[tilespmem:s31], [sflag:$0x1] =	stream.indirect_vreg.gather [hbm4b:s2+s0], $0x80, v9, vm2, $0xb8;
	[tilespmem:$0x10900] =	vst v63  }
0x14f: {  	_ =	swait.ge [sflag:s24], $0x4000  }
0x150: {  	[sflag:s24] =	ssyncset.done $0x0  }
0x151: {  	[sflag:s24] =	ssyncadd.s32 $0xFFFFC000  }
0x152: {  	[hbm4b:s6+s0] =	stream.linear.scatter [tilespmem:s16], [sflag:$0x2], $0x4000, $0x38;
	[tilespmem:$0x10900] =	vst v63  }
0x153: {  	_ =	swait.ge [sflag:s12], $0x4000  }
0x154: {  	[sflag:s12] =	ssyncset.done $0x0  }
0x155: {  	s1 =	simm.s32 $0x0;
	v9 =	vimm.f32 $0.0e+00;
	[sflag:s12] =	ssyncadd.s32 $0xFFFFC000  }
.LBB2_31:
0x156: {  	v10 =	vmov s1  }
0x157: {  	v12 =	vmov s0;
	v11 =	vshll.u32 v10, $0x8;
	v10 =	vshll.u32 v10, $0x7  }
0x158: {  	v12 =	vshll.u32 v12, $0x3;
	v11 =	vand.u32 $0x3800, v11;
	v10 =	vand.u32 $0x380, v10  }
0x159: {  	v12 =	vand.u32 $0x400, v12;
	v10 =	vor.u32 v11, v10;
	v11 =	vor.u32 s0, v3  }
0x15a: {  	s4 =	sshll.u32 s1, $0x8;
	v11 =	vand.u32 $0x7F, v11;
	v12 =	vor.u32 v12, v10  }
0x15b: {  	s18 =	simm.s32 $0x10;
	s4 =	sand.u32 $0x3FFFFF00, s4;
	v11 =	vor.u32 v11, v12  }
0x15c: {  	s30 =	sand.u32 $0x80, s0;
	s13 =	sadd.s32 $0xC880, s4;
	v12 =	vmov s18  }
0x15d: {  	s17 =	sand.u32 $0x70, s0;
	s4 =	sadd.s32 s30, s13;
	v12 =	vshll.u32 v12, $0x3  }
0x15e: {  	v13 =	vor.u32 s18, v3;
	s4 =	sadd.s32 s17, s4;
	v12 =	vand.u32 $0x400, v12  }
0x15f: {  	v13 =	vand.u32 $0x7F, v13;
	v14 =	vld [tilespmem:s4+$0x0];
	v12 =	vor.u32 v12, v10  }
0x160: {  	v12 =	vor.u32 v13, v12;
	v11 =	vld.idx.msk [tilespmem:v11+s16+$0x0], $0xffff  }
0x161: {  	s17 =	simm.s32 $0x20  }
0x162: {  	v13 =	vmov s17  }
0x163: {  	s31 =	sand.u32 $0x80, s18;
	v13 =	vshll.u32 v13, $0x3  }
0x164: {  	v15 =	vor.u32 s17, v3;
	s18 =	sand.u32 $0x70, s18;
	s4 =	sadd.s32 s31, s13;
	v13 =	vand.u32 $0x400, v13  }
0x165: {  	v15 =	vand.u32 $0x7F, v15;
	s4 =	sadd.s32 s18, s4;
	v13 =	vor.u32 v13, v10;
	v14 =	vsub.f32 v14, v11;
	v11 =	vld.idx.msk [tilespmem:v12+s16+$0x0], $0xffff  }
0x166: {  	v12 =	vor.u32 v15, v13;
	v13 =	vld [tilespmem:s4+$0x0]  }
0x167: {  	s18 =	simm.s32 $0x30;
	v14 =	vmul.f32 v14, v14  }
.LBB2_32:
0x168: {  	v15 =	vmov s18;
	p0 =	sne.s32 s18, $0xF0;
	s4 =	smov.u32 s18;
	s18 =	sadd.s32 $0x10, s18  }
.Ltmp21:
0x169: {  	s19 =	sand.u32 $0x80, s17;
	v15 =	vshll.u32 v15, $0x3;
	v9 =	vadd.f32 v14, v9;
	(pc) =	sbr.rel @p0 .LBB2_32-.Ltmp21, $4  }
0x16a: {  	s20 =	sand.u32 $0x70, s17;
	v14 =	vor.u32 s4, v3;
	s19 =	sadd.s32 s19, s13;
	s17 =	smov.u32 s4;
	v15 =	vand.u32 $0x400, v15  }
0x16b: {  	v14 =	vand.u32 $0x7F, v14;
	s4 =	sadd.s32 s20, s19;
	v15 =	vor.u32 v15, v10;
	v16 =	vsub.f32 v13, v11;
	v11 =	vld.idx.msk [tilespmem:v12+s16+$0x0], $0xffff  }
0x16c: {  	v12 =	vor.u32 v14, v15;
	v13 =	vld [tilespmem:s4+$0x0]  }
0x16d: {  	v14 =	vmul.f32 v16, v16  }
0x16e: {  	_ =	sdelay $0x1  }
0x16f: {  	s4 =	sand.u32 $0x80, s17  }
0x170: {  	s31 =	sand.u32 $0x70, s17;
	s4 =	sadd.s32 s4, s13  }
0x171: {  	v10 =	vld.idx.msk [tilespmem:v12+s16+$0x0], $0xffff;
	s4 =	sadd.s32 s31, s4  }
0x172: {  	v63 =	vld [tilespmem:s4+$0x0];
	_ =	sdelay $0x2  }
0x173: {  	s1 =	sadd.s32 $0x1, s1;
	v11 =	vsub.f32 v13, v11  }
0x174: {  	p0 =	sne.s32 s1, $0x40  }
.Ltmp22:
0x175: {  	v9 =	vadd.f32 v14, v9;
	v11 =	vmul.f32 v11, v11;
	v10 =	vsub.f32 v63, v10;
	(pc) =	sbr.rel @p0 .LBB2_31-.Ltmp22, $3  }
0x176: {  	_ = 	snop  }
0x177: {  	v9 =	vadd.f32 v11, v9;
	v10 =	vmul.f32 v10, v10;
	_ =	sdelay $0x1  }
0x178: {  	v9 =	vadd.f32 v10, v9  }
0x179: {  	s26 =	sadd.s32 $0x1, s26  }
0x17a: {  	p0 =	sne.s32 s26, s9  }
.Ltmp23:
0x17b: {  	s0 =	simm.s32 $0x10880;
	[tilespmem:$0x10880] =	vst v9;
	(pc) =	sbr.rel @p0 .LBB2_2-.Ltmp23, $4  }
0x17c: {  	[hbm4b:s7+s3] =	stream.linear.scatter [tilespmem:s0], [sflag:$0x2], $0x80, $0x38;
	[tilespmem:$0x10900] =	vst v63  }
0x17d: {  	_ =	swait.ge [sflag:s12], $0x80  }
0x17e: {  	[sflag:s12] =	ssyncset.done $0x0  }
0x17f: {  	[sflag:s12] =	ssyncadd.s32 $0xFFFFFF80  }
.LBB2_35:
0x180: {  	_ =	sfence.sel $0x180000  }
0x181: {  	[bflag:$0x0] =	sbarrier.arrive $0xFFFF  }
0x182: {  	_ =	strace $0x90000047  }
0x183: {  	s0 =	stileid.u32;
	[bflag:$0x2] =	sbarrier.arrive $0xFFFF  }
0x184: {  	p0 =	sne.s32 s0, $0x0;
	s0 =	rddreg [dreg:$0x3]  }
0x185: {  	s0 =	sadd.s32 @!p0 $0x100000, s0  }
0x186: {  	[sflag:s0] =	ssyncadd.tile.s32 @!p0 $0x1;
	_ =	shalt  }
.Lfunc_end2:
_tile_overlayer_lowered:
.L_overlay_start_2:
0x187: {  	(tag) =	ssettag $0x2  }
0x188: {  	s0 =	rddreg [dreg:$0x0];
	s2 =	stileid.u32  }
0x189: {  	s1 =	rddreg [dreg:$0x1];
	p0 =	sne.s32 s2, $0x0  }
0x18a: {  	s3 =	rddreg [dreg:$0x2];
	[bflag:$0x3] =	sbarrier.arrive $0xFFFF;
	s2 =	simm.s32 @!p0 $0x1C02  }
0x18b: {  	[timem:s3], [sflag:s2] =	dma.local @!p0 [hbm:s0], s1  }
0x18c: {  	s0 =	simm.s32 @!p0 $0x2  }
0x18d: {  	_ =	swait.ge @!p0 [sflag:s0], s1  }
0x18e: {  	s1 =	ssub.s32 @!p0 $0x0, s1;
	[sflag:s0] =	ssyncset.done @!p0 $0x0  }
0x18f: {  	[sflag:s0] =	ssyncadd.s32 @!p0 s1  }
0x190: {  	[bflag:$0x3] =	sbarrier.arrive $0xFFFF  }
0x191: {  	_ =	shalt  }

</sc_bundles>
